<compile_context>
chip_gen: v7x
topology: tpu7x:2x2x1
jax: 0.10.2.dev20260603
libtpu: 0.0.44.dev20260713+nightly
codegen_flags: <defaults>
</compile_context>

<pallas_src>
import functools

import jax
import jax.numpy as jnp
from jax import lax
from jax.experimental import pallas as pl
from jax.experimental.pallas import tpu as pltpu
from jax.experimental.pallas import tpu_sc as plsc

B = 16384
L2_REG_LAMBDA = 0.001

NC = 2
NS = 16
NW = NC * NS
BPW = B // NW
CH = 128
NCHUNK = BPW // CH


def _sc_gather_score(h, t, r, etab, rtab):
    mesh = plsc.VectorSubcoreMesh(
        core_axis_name="c", subcore_axis_name="s", num_cores=NC, num_subcores=NS
    )

    gather_set = (
        pltpu.VMEM((CH, 128), jnp.float32),
        pltpu.VMEM((CH, 128), jnp.float32),
        pltpu.VMEM((CH, 128), jnp.float32),
    )

    @functools.partial(
        pl.kernel,
        mesh=mesh,
        compiler_params=pltpu.CompilerParams(use_tc_tiling_on_sc=False),
        out_type=(
            jax.ShapeDtypeStruct((B, 16), jnp.float32),
            jax.ShapeDtypeStruct((2, NW * 16), jnp.float32),
        ),
        scratch_types=(
            pltpu.VMEM((BPW,), jnp.int32),
            pltpu.VMEM((BPW,), jnp.int32),
            pltpu.VMEM((BPW,), jnp.int32),
            gather_set,
            gather_set,
            pltpu.VMEM((CH, 16), jnp.float32),
            pltpu.VMEM((CH, 16), jnp.float32),
            pltpu.VMEM((2, 16), jnp.float32),
            pltpu.SemaphoreType.DMA,
            pltpu.SemaphoreType.DMA,
            pltpu.SemaphoreType.DMA,
        ),
    )
    def k(e_hbm, r_hbm_tab, h_hbm, t_hbm, r_hbm,
          pacc_hbm, acc_hbm,
          hi, ti, ri, bufs_a, bufs_b, pacc_a, pacc_b, accv,
          sem_a, sem_b, sem_o):
        wid = lax.axis_index("s") * NC + lax.axis_index("c")
        base = pl.multiple_of(wid * BPW, BPW)
        pltpu.sync_copy(h_hbm.at[pl.ds(base, BPW)], hi)
        pltpu.sync_copy(t_hbm.at[pl.ds(base, BPW)], ti)
        pltpu.sync_copy(r_hbm.at[pl.ds(base, BPW)], ri)

        bufs = (bufs_a, bufs_b)
        paccs = (pacc_a, pacc_b)
        sems = (sem_a, sem_b)

        def fire(c):
            eh, et, rr = bufs[c % 2]
            sem = sems[c % 2]
            hs = hi.at[pl.ds(c * CH, CH)]
            ts = ti.at[pl.ds(c * CH, CH)]
            rs = ri.at[pl.ds(c * CH, CH)]
            return (
                pltpu.async_copy(e_hbm.at[hs], eh, sem),
                pltpu.async_copy(e_hbm.at[ts], et, sem),
                pltpu.async_copy(r_hbm_tab.at[rs], rr, sem),
            )

        acc32 = jnp.zeros((16,), jnp.float32)
        acc64 = jnp.zeros((16,), jnp.float32)
        cps = fire(0)
        out_cp = None
        for c in range(NCHUNK):
            nxt = fire(c + 1) if c + 1 < NCHUNK else ()
            for cp in cps:
                cp.wait()
            cps = nxt
            eh, et, rr = bufs[c % 2]
            pacc = paccs[c % 2]

            def row(i, carry, eh=eh, et=et, rr=rr, pacc=pacc):
                a32, a64 = carry
                s = None
                for half in range(2):
                    o = half * 16
                    a1 = eh[i, pl.ds(o, 16)]
                    a2 = eh[i, pl.ds(32 + o, 16)]
                    b1 = et[i, pl.ds(o, 16)]
                    b2 = et[i, pl.ds(32 + o, 16)]
                    q1 = rr[i, pl.ds(o, 16)]
                    q2 = rr[i, pl.ds(32 + o, 16)]
                    contrib = ((a1 * b1 + a2 * b2) * q1
                               + (a1 * b2 - a2 * b1) * q2)
                    s = contrib if s is None else s + contrib
                    sq = (((a1 * a1 + a2 * a2) + (b1 * b1 + b2 * b2))
                          + (q1 * q1 + q2 * q2))
                    a32 = a32 + sq
                d64 = None
                for q in range(4):
                    sl = pl.ds(64 + q * 16, 16)
                    hh = eh[i, sl]
                    tt = et[i, sl]
                    rv = rr[i, sl]
                    s = s + hh * tt * rv
                    sq = (hh * hh + tt * tt) + rv * rv
                    d64 = sq if d64 is None else d64 + sq
                a64 = a64 + d64
                pacc[i, :] = s
                return a32, a64

            acc32, acc64 = lax.fori_loop(0, CH, row, (acc32, acc64))
            if out_cp is not None:
                out_cp.wait()
            out_cp = pltpu.async_copy(
                pacc, pacc_hbm.at[pl.ds(base + c * CH, CH)], sem_o)
        out_cp.wait()
        accv[0, :] = acc32
        accv[1, :] = acc64
        lane = pl.multiple_of(wid * 16, 16)
        pltpu.sync_copy(accv.at[0], acc_hbm.at[0, pl.ds(lane, 16)])
        pltpu.sync_copy(accv.at[1], acc_hbm.at[1, pl.ds(lane, 16)])

    return k(etab, rtab, h, t, r)


def _tc_loss(pacc, y, accs):

    def body(p_ref, y_ref, a_ref, o_ref):
        x = p_ref[...]
        rows = lax.broadcasted_iota(jnp.int32, (2048, 128), 0)
        cols = lax.broadcasted_iota(jnp.int32, (2048, 128), 1)
        m = jnp.where(rows // 16 == cols, 1.0, 0.0).astype(jnp.float32)
        s = jax.lax.dot_general(
            x, m, (((1,), (0,)), ((), ())),
            preferred_element_type=jnp.float32)
        z = y_ref[...] * (-s)
        sp = jnp.maximum(z, 0.0) + jnp.log1p(jnp.exp(-jnp.abs(z)))
        loss_f = jnp.sum(sp) * (1.0 / B)
        s32 = jnp.sum(a_ref[0:1, :])
        s64 = jnp.sum(a_ref[1:2, :])
        o_ref[0, 0] = loss_f + L2_REG_LAMBDA * (
            s32 * (1.0 / (B * 32.0)) + s64 * (1.0 / (B * 64.0))
        )

    out = pl.pallas_call(
        body,
        out_shape=jax.ShapeDtypeStruct((1, 1), jnp.float32),
        out_specs=pl.BlockSpec(memory_space=pltpu.SMEM),
    )(pacc.reshape(128, 2048), y.reshape(128, 128), accs)
    return out.reshape(())


def kernel(h, t, r, input_y, ent_embeddings_1, ent_embeddings_2,
           rel_embeddings_1, rel_embeddings_2, ent_embeddings, rel_embeddings):
    etab = jnp.concatenate(
        [ent_embeddings_1, ent_embeddings_2, ent_embeddings], axis=1)
    rtab = jnp.concatenate(
        [rel_embeddings_1, rel_embeddings_2, rel_embeddings], axis=1)
    pacc, accs = _sc_gather_score(h, t, r, etab, rtab)
    return _tc_loss(pacc, input_y, accs)

# --- scband reference (transcript-rebuilt; emitter-appended) ---
"""Pipeline reference for scband-analogy-42425686950439 (READ-ONLY COPY).

The authoritative reference and input builder live on the scoring server;
editing this copy changes nothing except your own understanding.
"""

import jax, jax.numpy as jnp
import numpy as np

NUM_ENT = 100000
NUM_REL = 1000
ENT_DIM = 64
REL_DIM = 64
B = 16384
L2_REG_LAMBDA = 0.001


def setup_inputs(seed: int = 0) -> dict:
    key = jax.random.key(seed)
    ks = jax.random.split(key, 10)
    inp = {}
    inp['h'] = jax.random.randint(ks[0], (B,), 0, NUM_ENT, dtype=jnp.int32)
    inp['t'] = jax.random.randint(ks[1], (B,), 0, NUM_ENT, dtype=jnp.int32)
    inp['r'] = jax.random.randint(ks[2], (B,), 0, NUM_REL, dtype=jnp.int32)
    inp['input_y'] = jax.random.normal(ks[3], (B,), dtype=jnp.float32)
    # learned parameters (xavier-normal-ish init)
    inp['ent_embeddings_1'] = jax.random.normal(ks[4], (NUM_ENT, ENT_DIM // 2), dtype=jnp.float32) * 0.05
    inp['ent_embeddings_2'] = jax.random.normal(ks[5], (NUM_ENT, ENT_DIM // 2), dtype=jnp.float32) * 0.05
    inp['rel_embeddings_1'] = jax.random.normal(ks[6], (NUM_REL, REL_DIM // 2), dtype=jnp.float32) * 0.05
    inp['rel_embeddings_2'] = jax.random.normal(ks[7], (NUM_REL, REL_DIM // 2), dtype=jnp.float32) * 0.05
    inp['ent_embeddings'] = jax.random.normal(ks[8], (NUM_ENT, ENT_DIM), dtype=jnp.float32) * 0.05
    inp['rel_embeddings'] = jax.random.normal(ks[9], (NUM_REL, REL_DIM), dtype=jnp.float32) * 0.05
    return inp


def _calc_comp(e1_h, e2_h, e1_t, e2_t, r1, r2):
    return e1_h * e1_t * r1 + e2_h * e2_t * r1 + e1_h * e2_t * r2 - e2_h * e1_t * r2


def _calc_dist(e_h, e_t, rel):
    return e_h * e_t * rel


def reference(h, t, r, input_y, ent_embeddings_1, ent_embeddings_2, rel_embeddings_1, rel_embeddings_2, ent_embeddings, rel_embeddings):
    h_embed_1 = jnp.take(ent_embeddings_1, h, axis=0)
    t_embed_1 = jnp.take(ent_embeddings_1, t, axis=0)
    r_embed_1 = jnp.take(rel_embeddings_1, r, axis=0)
    h_embed_2 = jnp.take(ent_embeddings_2, h, axis=0)
    t_embed_2 = jnp.take(ent_embeddings_2, t, axis=0)
    r_embed_2 = jnp.take(rel_embeddings_2, r, axis=0)
    h_embed = jnp.take(ent_embeddings, h, axis=0)
    t_embed = jnp.take(ent_embeddings, t, axis=0)
    r_embed = jnp.take(rel_embeddings, r, axis=0)

    res_comp = -jnp.sum(_calc_comp(h_embed_1, h_embed_2, t_embed_1, t_embed_2, r_embed_1, r_embed_2), axis=1)
    res_dist = -jnp.sum(_calc_dist(h_embed, t_embed, r_embed), axis=1)
    predict = res_comp + res_dist

    loss_func = jnp.mean(jax.nn.softplus(jnp.reshape(input_y, (-1,)) * jnp.reshape(predict, (-1,))))
    regul_func = (jnp.mean(h_embed_1 ** 2) + jnp.mean(t_embed_1 ** 2)
                  + jnp.mean(h_embed_2 ** 2) + jnp.mean(t_embed_2 ** 2)
                  + jnp.mean(r_embed_1 ** 2) + jnp.mean(r_embed_2 ** 2)
                  + jnp.mean(h_embed ** 2) + jnp.mean(t_embed ** 2)
                  + jnp.mean(r_embed ** 2))
    loss = loss_func + L2_REG_LAMBDA * regul_func
    return loss

if __name__ == "__main__":
    import jax
    _d = setup_inputs()
    print(jax.jit(kernel)(*tuple(_d.values())))

</pallas_src>

<mosaic_0001>
#map = affine_map<(d0, d1) -> (0, 0)>
#map1 = affine_map<(d0, d1) -> (0)>
module attributes {stable_mosaic.version = 14 : i64} {
  func.func @k(%arg0: i32, %arg1: i32, %arg2: memref<100000x128xf32, #tpu.memory_space<hbm>>, %arg3: memref<1000x128xf32, #tpu.memory_space<hbm>>, %arg4: memref<16384xi32, #tpu.memory_space<hbm>>, %arg5: memref<16384xi32, #tpu.memory_space<hbm>>, %arg6: memref<16384xi32, #tpu.memory_space<hbm>>, %arg7: memref<16384x16xf32, #tpu.memory_space<hbm>>, %arg8: memref<2x512xf32, #tpu.memory_space<hbm>>, %arg9: memref<512xi32, #tpu.memory_space<vmem>>, %arg10: memref<512xi32, #tpu.memory_space<vmem>>, %arg11: memref<512xi32, #tpu.memory_space<vmem>>, %arg12: memref<128x128xf32, #tpu.memory_space<vmem>>, %arg13: memref<128x128xf32, #tpu.memory_space<vmem>>, %arg14: memref<128x128xf32, #tpu.memory_space<vmem>>, %arg15: memref<128x128xf32, #tpu.memory_space<vmem>>, %arg16: memref<128x128xf32, #tpu.memory_space<vmem>>, %arg17: memref<128x128xf32, #tpu.memory_space<vmem>>, %arg18: memref<128x16xf32, #tpu.memory_space<vmem>>, %arg19: memref<128x16xf32, #tpu.memory_space<vmem>>, %arg20: memref<2x16xf32, #tpu.memory_space<vmem>>, %arg21: memref<!tpu.dma_semaphore, #tpu.memory_space<semaphore_mem>>, %arg22: memref<!tpu.dma_semaphore, #tpu.memory_space<semaphore_mem>>, %arg23: memref<!tpu.dma_semaphore, #tpu.memory_space<semaphore_mem>>) attributes {dimension_semantics = [#tpu.dimension_semantics<core_parallel>, #tpu.dimension_semantics<subcore_parallel>], iteration_bounds = array<i64: 2, 16>, scalar_prefetch = 0 : i64, scratch_operands = 15 : i64, tpu.core_type = #tpu.core_type<sc_vector_subcore>, window_params = [{transform_indices = #map}, {transform_indices = #map}, {transform_indices = #map1}, {transform_indices = #map1}, {transform_indices = #map1}, {transform_indices = #map}, {transform_indices = #map}]} {
    %mul3A = arith.constant 2 : i32
    %mul3A_0 = arith.muli %arg1, %mul3A : i32
    %add3A = arith.addi %mul3A_0, %arg0 : i32
    %mul3A_1 = arith.constant 512 : i32
    %mul3A_2 = arith.muli %add3A, %mul3A_1 : i32
    %multiple_of3A = tpu.assume_multiple %mul3A_2, 512 : i32
    "tpu.region"() ({
      %run_scoped3A_204 = tpu.sem_alloc : memref<!tpu.dma_semaphore, #tpu.memory_space<semaphore_mem>>
      %dma_start3A_205 = tpu.memref_slice %arg4[%multiple_of3A] : memref<16384xi32, #tpu.memory_space<hbm>> -> memref<512xi32, #tpu.memory_space<hbm>>
      %dma_start3A_206 = tpu.memref_slice %arg4[%multiple_of3A] : memref<16384xi32, #tpu.memory_space<hbm>> -> memref<512xi32, #tpu.memory_space<hbm>>
      tpu.enqueue_dma source(%dma_start3A_206 : memref<512xi32, #tpu.memory_space<hbm>>) target(%arg9 : memref<512xi32, #tpu.memory_space<vmem>>) target_semaphore(%run_scoped3A_204 : memref<!tpu.dma_semaphore, #tpu.memory_space<semaphore_mem>>)
      %dma_wait3A_207 = tpu.memref_slice %arg4[%multiple_of3A] : memref<16384xi32, #tpu.memory_space<hbm>> -> memref<512xi32, #tpu.memory_space<hbm>>
      %dma_wait3A_208 = tpu.memref_slice %arg4[%multiple_of3A] : memref<16384xi32, #tpu.memory_space<hbm>> -> memref<512xi32, #tpu.memory_space<hbm>>
      tpu.wait_dma2 semaphore(%run_scoped3A_204 : memref<!tpu.dma_semaphore, #tpu.memory_space<semaphore_mem>>) src(%dma_wait3A_208 : memref<512xi32, #tpu.memory_space<hbm>>) dst(%arg9 : memref<512xi32, #tpu.memory_space<vmem>>)
      tpu.yield
    }) : () -> ()
    "tpu.region"() ({
      %run_scoped3A_204 = tpu.sem_alloc : memref<!tpu.dma_semaphore, #tpu.memory_space<semaphore_mem>>
      %dma_start3A_205 = tpu.memref_slice %arg5[%multiple_of3A] : memref<16384xi32, #tpu.memory_space<hbm>> -> memref<512xi32, #tpu.memory_space<hbm>>
      %dma_start3A_206 = tpu.memref_slice %arg5[%multiple_of3A] : memref<16384xi32, #tpu.memory_space<hbm>> -> memref<512xi32, #tpu.memory_space<hbm>>
      tpu.enqueue_dma source(%dma_start3A_206 : memref<512xi32, #tpu.memory_space<hbm>>) target(%arg10 : memref<512xi32, #tpu.memory_space<vmem>>) target_semaphore(%run_scoped3A_204 : memref<!tpu.dma_semaphore, #tpu.memory_space<semaphore_mem>>)
      %dma_wait3A_207 = tpu.memref_slice %arg5[%multiple_of3A] : memref<16384xi32, #tpu.memory_space<hbm>> -> memref<512xi32, #tpu.memory_space<hbm>>
      %dma_wait3A_208 = tpu.memref_slice %arg5[%multiple_of3A] : memref<16384xi32, #tpu.memory_space<hbm>> -> memref<512xi32, #tpu.memory_space<hbm>>
      tpu.wait_dma2 semaphore(%run_scoped3A_204 : memref<!tpu.dma_semaphore, #tpu.memory_space<semaphore_mem>>) src(%dma_wait3A_208 : memref<512xi32, #tpu.memory_space<hbm>>) dst(%arg10 : memref<512xi32, #tpu.memory_space<vmem>>)
      tpu.yield
    }) : () -> ()
    "tpu.region"() ({
      %run_scoped3A_204 = tpu.sem_alloc : memref<!tpu.dma_semaphore, #tpu.memory_space<semaphore_mem>>
      %dma_start3A_205 = tpu.memref_slice %arg6[%multiple_of3A] : memref<16384xi32, #tpu.memory_space<hbm>> -> memref<512xi32, #tpu.memory_space<hbm>>
      %dma_start3A_206 = tpu.memref_slice %arg6[%multiple_of3A] : memref<16384xi32, #tpu.memory_space<hbm>> -> memref<512xi32, #tpu.memory_space<hbm>>
      tpu.enqueue_dma source(%dma_start3A_206 : memref<512xi32, #tpu.memory_space<hbm>>) target(%arg11 : memref<512xi32, #tpu.memory_space<vmem>>) target_semaphore(%run_scoped3A_204 : memref<!tpu.dma_semaphore, #tpu.memory_space<semaphore_mem>>)
      %dma_wait3A_207 = tpu.memref_slice %arg6[%multiple_of3A] : memref<16384xi32, #tpu.memory_space<hbm>> -> memref<512xi32, #tpu.memory_space<hbm>>
      %dma_wait3A_208 = tpu.memref_slice %arg6[%multiple_of3A] : memref<16384xi32, #tpu.memory_space<hbm>> -> memref<512xi32, #tpu.memory_space<hbm>>
      tpu.wait_dma2 semaphore(%run_scoped3A_204 : memref<!tpu.dma_semaphore, #tpu.memory_space<semaphore_mem>>) src(%dma_wait3A_208 : memref<512xi32, #tpu.memory_space<hbm>>) dst(%arg11 : memref<512xi32, #tpu.memory_space<vmem>>)
      tpu.yield
    }) : () -> ()
    %broadcast_in_dim3A = arith.constant 0.000000e+00 : f32
    %broadcast_in_dim3A_3 = vector.broadcast %broadcast_in_dim3A : f32 to vector<16xf32>
    %broadcast_in_dim3A_4 = arith.constant 0.000000e+00 : f32
    %broadcast_in_dim3A_5 = vector.broadcast %broadcast_in_dim3A_4 : f32 to vector<16xf32>
    %dma_start3A = arith.constant 0 : i32
    %dma_start3A_6 = tpu.memref_slice %arg9[%dma_start3A] : memref<512xi32, #tpu.memory_space<vmem>> -> memref<128xi32, #tpu.memory_space<vmem>>
    %dma_start3A_7 = arith.constant 0 : i32
    %dma_start3A_8 = arith.constant 0 : i32
    %dma_start3A_9 = tpu.memref_slice %arg2[%dma_start3A_7, %dma_start3A_8] : memref<100000x128xf32, #tpu.memory_space<hbm>> -> memref<100000x128xf32, #tpu.memory_space<hbm>>
    tpu.enqueue_indirect_dma source(%dma_start3A_9 : memref<100000x128xf32, #tpu.memory_space<hbm>>) target(%arg12 : memref<128x128xf32, #tpu.memory_space<vmem>>) offsets(%dma_start3A_6 : memref<128xi32, #tpu.memory_space<vmem>>) semaphore(%arg21 : memref<!tpu.dma_semaphore, #tpu.memory_space<semaphore_mem>>)
    %dma_start3A_10 = arith.constant 0 : i32
    %dma_start3A_11 = tpu.memref_slice %arg10[%dma_start3A_10] : memref<512xi32, #tpu.memory_space<vmem>> -> memref<128xi32, #tpu.memory_space<vmem>>
    %dma_start3A_12 = arith.constant 0 : i32
    %dma_start3A_13 = arith.constant 0 : i32
    %dma_start3A_14 = tpu.memref_slice %arg2[%dma_start3A_12, %dma_start3A_13] : memref<100000x128xf32, #tpu.memory_space<hbm>> -> memref<100000x128xf32, #tpu.memory_space<hbm>>
    tpu.enqueue_indirect_dma source(%dma_start3A_14 : memref<100000x128xf32, #tpu.memory_space<hbm>>) target(%arg13 : memref<128x128xf32, #tpu.memory_space<vmem>>) offsets(%dma_start3A_11 : memref<128xi32, #tpu.memory_space<vmem>>) semaphore(%arg21 : memref<!tpu.dma_semaphore, #tpu.memory_space<semaphore_mem>>)
    %dma_start3A_15 = arith.constant 0 : i32
    %dma_start3A_16 = tpu.memref_slice %arg11[%dma_start3A_15] : memref<512xi32, #tpu.memory_space<vmem>> -> memref<128xi32, #tpu.memory_space<vmem>>
    %dma_start3A_17 = arith.constant 0 : i32
    %dma_start3A_18 = arith.constant 0 : i32
    %dma_start3A_19 = tpu.memref_slice %arg3[%dma_start3A_17, %dma_start3A_18] : memref<1000x128xf32, #tpu.memory_space<hbm>> -> memref<1000x128xf32, #tpu.memory_space<hbm>>
    tpu.enqueue_indirect_dma source(%dma_start3A_19 : memref<1000x128xf32, #tpu.memory_space<hbm>>) target(%arg14 : memref<128x128xf32, #tpu.memory_space<vmem>>) offsets(%dma_start3A_16 : memref<128xi32, #tpu.memory_space<vmem>>) semaphore(%arg21 : memref<!tpu.dma_semaphore, #tpu.memory_space<semaphore_mem>>)
    %dma_start3A_20 = arith.constant 128 : i32
    %dma_start3A_21 = tpu.memref_slice %arg9[%dma_start3A_20] : memref<512xi32, #tpu.memory_space<vmem>> -> memref<128xi32, #tpu.memory_space<vmem>>
    %dma_start3A_22 = arith.constant 0 : i32
    %dma_start3A_23 = arith.constant 0 : i32
    %dma_start3A_24 = tpu.memref_slice %arg2[%dma_start3A_22, %dma_start3A_23] : memref<100000x128xf32, #tpu.memory_space<hbm>> -> memref<100000x128xf32, #tpu.memory_space<hbm>>
    tpu.enqueue_indirect_dma source(%dma_start3A_24 : memref<100000x128xf32, #tpu.memory_space<hbm>>) target(%arg15 : memref<128x128xf32, #tpu.memory_space<vmem>>) offsets(%dma_start3A_21 : memref<128xi32, #tpu.memory_space<vmem>>) semaphore(%arg22 : memref<!tpu.dma_semaphore, #tpu.memory_space<semaphore_mem>>)
    %dma_start3A_25 = arith.constant 128 : i32
    %dma_start3A_26 = tpu.memref_slice %arg10[%dma_start3A_25] : memref<512xi32, #tpu.memory_space<vmem>> -> memref<128xi32, #tpu.memory_space<vmem>>
    %dma_start3A_27 = arith.constant 0 : i32
    %dma_start3A_28 = arith.constant 0 : i32
    %dma_start3A_29 = tpu.memref_slice %arg2[%dma_start3A_27, %dma_start3A_28] : memref<100000x128xf32, #tpu.memory_space<hbm>> -> memref<100000x128xf32, #tpu.memory_space<hbm>>
    tpu.enqueue_indirect_dma source(%dma_start3A_29 : memref<100000x128xf32, #tpu.memory_space<hbm>>) target(%arg16 : memref<128x128xf32, #tpu.memory_space<vmem>>) offsets(%dma_start3A_26 : memref<128xi32, #tpu.memory_space<vmem>>) semaphore(%arg22 : memref<!tpu.dma_semaphore, #tpu.memory_space<semaphore_mem>>)
    %dma_start3A_30 = arith.constant 128 : i32
    %dma_start3A_31 = tpu.memref_slice %arg11[%dma_start3A_30] : memref<512xi32, #tpu.memory_space<vmem>> -> memref<128xi32, #tpu.memory_space<vmem>>
    %dma_start3A_32 = arith.constant 0 : i32
    %dma_start3A_33 = arith.constant 0 : i32
    %dma_start3A_34 = tpu.memref_slice %arg3[%dma_start3A_32, %dma_start3A_33] : memref<1000x128xf32, #tpu.memory_space<hbm>> -> memref<1000x128xf32, #tpu.memory_space<hbm>>
    tpu.enqueue_indirect_dma source(%dma_start3A_34 : memref<1000x128xf32, #tpu.memory_space<hbm>>) target(%arg17 : memref<128x128xf32, #tpu.memory_space<vmem>>) offsets(%dma_start3A_31 : memref<128xi32, #tpu.memory_space<vmem>>) semaphore(%arg22 : memref<!tpu.dma_semaphore, #tpu.memory_space<semaphore_mem>>)
    %dma_wait3A = arith.constant 0 : i32
    %dma_wait3A_35 = tpu.memref_slice %arg9[%dma_wait3A] : memref<512xi32, #tpu.memory_space<vmem>> -> memref<128xi32, #tpu.memory_space<vmem>>
    %dma_wait3A_36 = arith.constant 0 : i32
    %dma_wait3A_37 = arith.constant 0 : i32
    %dma_wait3A_38 = tpu.memref_slice %arg2[%dma_wait3A_36, %dma_wait3A_37] : memref<100000x128xf32, #tpu.memory_space<hbm>> -> memref<100000x128xf32, #tpu.memory_space<hbm>>
    tpu.wait_indirect_dma semaphore(%arg21 : memref<!tpu.dma_semaphore, #tpu.memory_space<semaphore_mem>>) src(%dma_wait3A_38 : memref<100000x128xf32, #tpu.memory_space<hbm>>) dst(%arg12 : memref<128x128xf32, #tpu.memory_space<vmem>>)
    %dma_wait3A_39 = arith.constant 0 : i32
    %dma_wait3A_40 = tpu.memref_slice %arg10[%dma_wait3A_39] : memref<512xi32, #tpu.memory_space<vmem>> -> memref<128xi32, #tpu.memory_space<vmem>>
    %dma_wait3A_41 = arith.constant 0 : i32
    %dma_wait3A_42 = arith.constant 0 : i32
    %dma_wait3A_43 = tpu.memref_slice %arg2[%dma_wait3A_41, %dma_wait3A_42] : memref<100000x128xf32, #tpu.memory_space<hbm>> -> memref<100000x128xf32, #tpu.memory_space<hbm>>
    tpu.wait_indirect_dma semaphore(%arg21 : memref<!tpu.dma_semaphore, #tpu.memory_space<semaphore_mem>>) src(%dma_wait3A_43 : memref<100000x128xf32, #tpu.memory_space<hbm>>) dst(%arg13 : memref<128x128xf32, #tpu.memory_space<vmem>>)
    %dma_wait3A_44 = arith.constant 0 : i32
    %dma_wait3A_45 = tpu.memref_slice %arg11[%dma_wait3A_44] : memref<512xi32, #tpu.memory_space<vmem>> -> memref<128xi32, #tpu.memory_space<vmem>>
    %dma_wait3A_46 = arith.constant 0 : i32
    %dma_wait3A_47 = arith.constant 0 : i32
    %dma_wait3A_48 = tpu.memref_slice %arg3[%dma_wait3A_46, %dma_wait3A_47] : memref<1000x128xf32, #tpu.memory_space<hbm>> -> memref<1000x128xf32, #tpu.memory_space<hbm>>
    tpu.wait_indirect_dma semaphore(%arg21 : memref<!tpu.dma_semaphore, #tpu.memory_space<semaphore_mem>>) src(%dma_wait3A_48 : memref<1000x128xf32, #tpu.memory_space<hbm>>) dst(%arg14 : memref<128x128xf32, #tpu.memory_space<vmem>>)
    %scan3A = arith.constant 0 : i32
    %scan3A_49 = arith.constant 128 : i32
    %scan3A_50 = arith.addi %scan3A, %scan3A_49 : i32
    %scan3A_51 = arith.constant 1 : i32
    %scan3A_52:2 = scf.for %scan3A_204 = %scan3A to %scan3A_50 step %scan3A_51 iter_args(%scan3A_205 = %broadcast_in_dim3A_3, %scan3A_206 = %broadcast_in_dim3A_5) -> (vector<16xf32>, vector<16xf32>)  : i32 {
      %get3A = arith.index_cast %scan3A_204 : i32 to index
      %get3A_207 = arith.constant 0 : index
      %get3A_208 = tpu.vector_load %arg12[%get3A, %get3A_207] {strides = array<i32>} : memref<128x128xf32, #tpu.memory_space<vmem>>, vector<1x16xf32>,
      %get3A_209 = vector.shape_cast %get3A_208 : vector<1x16xf32> to vector<16xf32>
      %get3A_210 = arith.index_cast %scan3A_204 : i32 to index
      %get3A_211 = arith.constant 32 : index
      %get3A_212 = tpu.vector_load %arg12[%get3A_210, %get3A_211] {strides = array<i32>} : memref<128x128xf32, #tpu.memory_space<vmem>>, vector<1x16xf32>,
      %get3A_213 = vector.shape_cast %get3A_212 : vector<1x16xf32> to vector<16xf32>
      %get3A_214 = arith.index_cast %scan3A_204 : i32 to index
      %get3A_215 = arith.constant 0 : index
      %get3A_216 = tpu.vector_load %arg13[%get3A_214, %get3A_215] {strides = array<i32>} : memref<128x128xf32, #tpu.memory_space<vmem>>, vector<1x16xf32>,
      %get3A_217 = vector.shape_cast %get3A_216 : vector<1x16xf32> to vector<16xf32>
      %get3A_218 = arith.index_cast %scan3A_204 : i32 to index
      %get3A_219 = arith.constant 32 : index
      %get3A_220 = tpu.vector_load %arg13[%get3A_218, %get3A_219] {strides = array<i32>} : memref<128x128xf32, #tpu.memory_space<vmem>>, vector<1x16xf32>,
      %get3A_221 = vector.shape_cast %get3A_220 : vector<1x16xf32> to vector<16xf32>
      %get3A_222 = arith.index_cast %scan3A_204 : i32 to index
      %get3A_223 = arith.constant 0 : index
      %get3A_224 = tpu.vector_load %arg14[%get3A_222, %get3A_223] {strides = array<i32>} : memref<128x128xf32, #tpu.memory_space<vmem>>, vector<1x16xf32>,
      %get3A_225 = vector.shape_cast %get3A_224 : vector<1x16xf32> to vector<16xf32>
      %get3A_226 = arith.index_cast %scan3A_204 : i32 to index
      %get3A_227 = arith.constant 32 : index
      %get3A_228 = tpu.vector_load %arg14[%get3A_226, %get3A_227] {strides = array<i32>} : memref<128x128xf32, #tpu.memory_space<vmem>>, vector<1x16xf32>,
      %get3A_229 = vector.shape_cast %get3A_228 : vector<1x16xf32> to vector<16xf32>
      %mul3A_230 = arith.mulf %get3A_209, %get3A_217 : vector<16xf32>
      %mul3A_231 = arith.mulf %get3A_213, %get3A_221 : vector<16xf32>
      %add3A_232 = arith.addf %mul3A_230, %mul3A_231 : vector<16xf32>
      %mul3A_233 = arith.mulf %add3A_232, %get3A_225 : vector<16xf32>
      %mul3A_234 = arith.mulf %get3A_209, %get3A_221 : vector<16xf32>
      %mul3A_235 = arith.mulf %get3A_213, %get3A_217 : vector<16xf32>
      %sub3A = arith.subf %mul3A_234, %mul3A_235 : vector<16xf32>
      %mul3A_236 = arith.mulf %sub3A, %get3A_229 : vector<16xf32>
      %add3A_237 = arith.addf %mul3A_233, %mul3A_236 : vector<16xf32>
      %mul3A_238 = arith.mulf %get3A_209, %get3A_209 : vector<16xf32>
      %mul3A_239 = arith.mulf %get3A_213, %get3A_213 : vector<16xf32>
      %add3A_240 = arith.addf %mul3A_238, %mul3A_239 : vector<16xf32>
      %mul3A_241 = arith.mulf %get3A_217, %get3A_217 : vector<16xf32>
      %mul3A_242 = arith.mulf %get3A_221, %get3A_221 : vector<16xf32>
      %add3A_243 = arith.addf %mul3A_241, %mul3A_242 : vector<16xf32>
      %add3A_244 = arith.addf %add3A_240, %add3A_243 : vector<16xf32>
      %mul3A_245 = arith.mulf %get3A_225, %get3A_225 : vector<16xf32>
      %mul3A_246 = arith.mulf %get3A_229, %get3A_229 : vector<16xf32>
      %add3A_247 = arith.addf %mul3A_245, %mul3A_246 : vector<16xf32>
      %add3A_248 = arith.addf %add3A_244, %add3A_247 : vector<16xf32>
      %add3A_249 = arith.addf %scan3A_205, %add3A_248 : vector<16xf32>
      %get3A_250 = arith.index_cast %scan3A_204 : i32 to index
      %get3A_251 = arith.constant 16 : index
      %get3A_252 = tpu.vector_load %arg12[%get3A_250, %get3A_251] {strides = array<i32>} : memref<128x128xf32, #tpu.memory_space<vmem>>, vector<1x16xf32>,
      %get3A_253 = vector.shape_cast %get3A_252 : vector<1x16xf32> to vector<16xf32>
      %get3A_254 = arith.index_cast %scan3A_204 : i32 to index
      %get3A_255 = arith.constant 48 : index
      %get3A_256 = tpu.vector_load %arg12[%get3A_254, %get3A_255] {strides = array<i32>} : memref<128x128xf32, #tpu.memory_space<vmem>>, vector<1x16xf32>,
      %get3A_257 = vector.shape_cast %get3A_256 : vector<1x16xf32> to vector<16xf32>
      %get3A_258 = arith.index_cast %scan3A_204 : i32 to index
      %get3A_259 = arith.constant 16 : index
      %get3A_260 = tpu.vector_load %arg13[%get3A_258, %get3A_259] {strides = array<i32>} : memref<128x128xf32, #tpu.memory_space<vmem>>, vector<1x16xf32>,
      %get3A_261 = vector.shape_cast %get3A_260 : vector<1x16xf32> to vector<16xf32>
      %get3A_262 = arith.index_cast %scan3A_204 : i32 to index
      %get3A_263 = arith.constant 48 : index
      %get3A_264 = tpu.vector_load %arg13[%get3A_262, %get3A_263] {strides = array<i32>} : memref<128x128xf32, #tpu.memory_space<vmem>>, vector<1x16xf32>,
      %get3A_265 = vector.shape_cast %get3A_264 : vector<1x16xf32> to vector<16xf32>
      %get3A_266 = arith.index_cast %scan3A_204 : i32 to index
      %get3A_267 = arith.constant 16 : index
      %get3A_268 = tpu.vector_load %arg14[%get3A_266, %get3A_267] {strides = array<i32>} : memref<128x128xf32, #tpu.memory_space<vmem>>, vector<1x16xf32>,
      %get3A_269 = vector.shape_cast %get3A_268 : vector<1x16xf32> to vector<16xf32>
      %get3A_270 = arith.index_cast %scan3A_204 : i32 to index
      %get3A_271 = arith.constant 48 : index
      %get3A_272 = tpu.vector_load %arg14[%get3A_270, %get3A_271] {strides = array<i32>} : memref<128x128xf32, #tpu.memory_space<vmem>>, vector<1x16xf32>,
      %get3A_273 = vector.shape_cast %get3A_272 : vector<1x16xf32> to vector<16xf32>
      %mul3A_274 = arith.mulf %get3A_253, %get3A_261 : vector<16xf32>
      %mul3A_275 = arith.mulf %get3A_257, %get3A_265 : vector<16xf32>
      %add3A_276 = arith.addf %mul3A_274, %mul3A_275 : vector<16xf32>
      %mul3A_277 = arith.mulf %add3A_276, %get3A_269 : vector<16xf32>
      %mul3A_278 = arith.mulf %get3A_253, %get3A_265 : vector<16xf32>
      %mul3A_279 = arith.mulf %get3A_257, %get3A_261 : vector<16xf32>
      %sub3A_280 = arith.subf %mul3A_278, %mul3A_279 : vector<16xf32>
      %mul3A_281 = arith.mulf %sub3A_280, %get3A_273 : vector<16xf32>
      %add3A_282 = arith.addf %mul3A_277, %mul3A_281 : vector<16xf32>
      %add3A_283 = arith.addf %add3A_237, %add3A_282 : vector<16xf32>
      %mul3A_284 = arith.mulf %get3A_253, %get3A_253 : vector<16xf32>
      %mul3A_285 = arith.mulf %get3A_257, %get3A_257 : vector<16xf32>
      %add3A_286 = arith.addf %mul3A_284, %mul3A_285 : vector<16xf32>
      %mul3A_287 = arith.mulf %get3A_261, %get3A_261 : vector<16xf32>
      %mul3A_288 = arith.mulf %get3A_265, %get3A_265 : vector<16xf32>
      %add3A_289 = arith.addf %mul3A_287, %mul3A_288 : vector<16xf32>
      %add3A_290 = arith.addf %add3A_286, %add3A_289 : vector<16xf32>
      %mul3A_291 = arith.mulf %get3A_269, %get3A_269 : vector<16xf32>
      %mul3A_292 = arith.mulf %get3A_273, %get3A_273 : vector<16xf32>
      %add3A_293 = arith.addf %mul3A_291, %mul3A_292 : vector<16xf32>
      %add3A_294 = arith.addf %add3A_290, %add3A_293 : vector<16xf32>
      %add3A_295 = arith.addf %add3A_249, %add3A_294 : vector<16xf32>
      %get3A_296 = arith.index_cast %scan3A_204 : i32 to index
      %get3A_297 = arith.constant 64 : index
      %get3A_298 = tpu.vector_load %arg12[%get3A_296, %get3A_297] {strides = array<i32>} : memref<128x128xf32, #tpu.memory_space<vmem>>, vector<1x16xf32>,
      %get3A_299 = vector.shape_cast %get3A_298 : vector<1x16xf32> to vector<16xf32>
      %get3A_300 = arith.index_cast %scan3A_204 : i32 to index
      %get3A_301 = arith.constant 64 : index
      %get3A_302 = tpu.vector_load %arg13[%get3A_300, %get3A_301] {strides = array<i32>} : memref<128x128xf32, #tpu.memory_space<vmem>>, vector<1x16xf32>,
      %get3A_303 = vector.shape_cast %get3A_302 : vector<1x16xf32> to vector<16xf32>
      %get3A_304 = arith.index_cast %scan3A_204 : i32 to index
      %get3A_305 = arith.constant 64 : index
      %get3A_306 = tpu.vector_load %arg14[%get3A_304, %get3A_305] {strides = array<i32>} : memref<128x128xf32, #tpu.memory_space<vmem>>, vector<1x16xf32>,
      %get3A_307 = vector.shape_cast %get3A_306 : vector<1x16xf32> to vector<16xf32>
      %mul3A_308 = arith.mulf %get3A_299, %get3A_303 : vector<16xf32>
      %mul3A_309 = arith.mulf %mul3A_308, %get3A_307 : vector<16xf32>
      %add3A_310 = arith.addf %add3A_283, %mul3A_309 : vector<16xf32>
      %mul3A_311 = arith.mulf %get3A_299, %get3A_299 : vector<16xf32>
      %mul3A_312 = arith.mulf %get3A_303, %get3A_303 : vector<16xf32>
      %add3A_313 = arith.addf %mul3A_311, %mul3A_312 : vector<16xf32>
      %mul3A_314 = arith.mulf %get3A_307, %get3A_307 : vector<16xf32>
      %add3A_315 = arith.addf %add3A_313, %mul3A_314 : vector<16xf32>
      %get3A_316 = arith.index_cast %scan3A_204 : i32 to index
      %get3A_317 = arith.constant 80 : index
      %get3A_318 = tpu.vector_load %arg12[%get3A_316, %get3A_317] {strides = array<i32>} : memref<128x128xf32, #tpu.memory_space<vmem>>, vector<1x16xf32>,
      %get3A_319 = vector.shape_cast %get3A_318 : vector<1x16xf32> to vector<16xf32>
      %get3A_320 = arith.index_cast %scan3A_204 : i32 to index
      %get3A_321 = arith.constant 80 : index
      %get3A_322 = tpu.vector_load %arg13[%get3A_320, %get3A_321] {strides = array<i32>} : memref<128x128xf32, #tpu.memory_space<vmem>>, vector<1x16xf32>,
      %get3A_323 = vector.shape_cast %get3A_322 : vector<1x16xf32> to vector<16xf32>
      %get3A_324 = arith.index_cast %scan3A_204 : i32 to index
      %get3A_325 = arith.constant 80 : index
      %get3A_326 = tpu.vector_load %arg14[%get3A_324, %get3A_325] {strides = array<i32>} : memref<128x128xf32, #tpu.memory_space<vmem>>, vector<1x16xf32>,
      %get3A_327 = vector.shape_cast %get3A_326 : vector<1x16xf32> to vector<16xf32>
      %mul3A_328 = arith.mulf %get3A_319, %get3A_323 : vector<16xf32>
      %mul3A_329 = arith.mulf %mul3A_328, %get3A_327 : vector<16xf32>
      %add3A_330 = arith.addf %add3A_310, %mul3A_329 : vector<16xf32>
      %mul3A_331 = arith.mulf %get3A_319, %get3A_319 : vector<16xf32>
      %mul3A_332 = arith.mulf %get3A_323, %get3A_323 : vector<16xf32>
      %add3A_333 = arith.addf %mul3A_331, %mul3A_332 : vector<16xf32>
      %mul3A_334 = arith.mulf %get3A_327, %get3A_327 : vector<16xf32>
      %add3A_335 = arith.addf %add3A_333, %mul3A_334 : vector<16xf32>
      %add3A_336 = arith.addf %add3A_315, %add3A_335 : vector<16xf32>
      %get3A_337 = arith.index_cast %scan3A_204 : i32 to index
      %get3A_338 = arith.constant 96 : index
      %get3A_339 = tpu.vector_load %arg12[%get3A_337, %get3A_338] {strides = array<i32>} : memref<128x128xf32, #tpu.memory_space<vmem>>, vector<1x16xf32>,
      %get3A_340 = vector.shape_cast %get3A_339 : vector<1x16xf32> to vector<16xf32>
      %get3A_341 = arith.index_cast %scan3A_204 : i32 to index
      %get3A_342 = arith.constant 96 : index
      %get3A_343 = tpu.vector_load %arg13[%get3A_341, %get3A_342] {strides = array<i32>} : memref<128x128xf32, #tpu.memory_space<vmem>>, vector<1x16xf32>,
      %get3A_344 = vector.shape_cast %get3A_343 : vector<1x16xf32> to vector<16xf32>
      %get3A_345 = arith.index_cast %scan3A_204 : i32 to index
      %get3A_346 = arith.constant 96 : index
      %get3A_347 = tpu.vector_load %arg14[%get3A_345, %get3A_346] {strides = array<i32>} : memref<128x128xf32, #tpu.memory_space<vmem>>, vector<1x16xf32>,
      %get3A_348 = vector.shape_cast %get3A_347 : vector<1x16xf32> to vector<16xf32>
      %mul3A_349 = arith.mulf %get3A_340, %get3A_344 : vector<16xf32>
      %mul3A_350 = arith.mulf %mul3A_349, %get3A_348 : vector<16xf32>
      %add3A_351 = arith.addf %add3A_330, %mul3A_350 : vector<16xf32>
      %mul3A_352 = arith.mulf %get3A_340, %get3A_340 : vector<16xf32>
      %mul3A_353 = arith.mulf %get3A_344, %get3A_344 : vector<16xf32>
      %add3A_354 = arith.addf %mul3A_352, %mul3A_353 : vector<16xf32>
      %mul3A_355 = arith.mulf %get3A_348, %get3A_348 : vector<16xf32>
      %add3A_356 = arith.addf %add3A_354, %mul3A_355 : vector<16xf32>
      %add3A_357 = arith.addf %add3A_336, %add3A_356 : vector<16xf32>
      %get3A_358 = arith.index_cast %scan3A_204 : i32 to index
      %get3A_359 = arith.constant 112 : index
      %get3A_360 = tpu.vector_load %arg12[%get3A_358, %get3A_359] {strides = array<i32>} : memref<128x128xf32, #tpu.memory_space<vmem>>, vector<1x16xf32>,
      %get3A_361 = vector.shape_cast %get3A_360 : vector<1x16xf32> to vector<16xf32>
      %get3A_362 = arith.index_cast %scan3A_204 : i32 to index
      %get3A_363 = arith.constant 112 : index
      %get3A_364 = tpu.vector_load %arg13[%get3A_362, %get3A_363] {strides = array<i32>} : memref<128x128xf32, #tpu.memory_space<vmem>>, vector<1x16xf32>,
      %get3A_365 = vector.shape_cast %get3A_364 : vector<1x16xf32> to vector<16xf32>
      %get3A_366 = arith.index_cast %scan3A_204 : i32 to index
      %get3A_367 = arith.constant 112 : index
      %get3A_368 = tpu.vector_load %arg14[%get3A_366, %get3A_367] {strides = array<i32>} : memref<128x128xf32, #tpu.memory_space<vmem>>, vector<1x16xf32>,
      %get3A_369 = vector.shape_cast %get3A_368 : vector<1x16xf32> to vector<16xf32>
      %mul3A_370 = arith.mulf %get3A_361, %get3A_365 : vector<16xf32>
      %mul3A_371 = arith.mulf %mul3A_370, %get3A_369 : vector<16xf32>
      %add3A_372 = arith.addf %add3A_351, %mul3A_371 : vector<16xf32>
      %mul3A_373 = arith.mulf %get3A_361, %get3A_361 : vector<16xf32>
      %mul3A_374 = arith.mulf %get3A_365, %get3A_365 : vector<16xf32>
      %add3A_375 = arith.addf %mul3A_373, %mul3A_374 : vector<16xf32>
      %mul3A_376 = arith.mulf %get3A_369, %get3A_369 : vector<16xf32>
      %add3A_377 = arith.addf %add3A_375, %mul3A_376 : vector<16xf32>
      %add3A_378 = arith.addf %add3A_357, %add3A_377 : vector<16xf32>
      %add3A_379 = arith.addf %scan3A_206, %add3A_378 : vector<16xf32>
      %swap3A_380 = arith.index_cast %scan3A_204 : i32 to index
      %swap3A_381 = arith.constant 0 : index
      %swap3A_382 = tpu.vector_load %arg18[%swap3A_380, %swap3A_381] {strides = array<i32>} : memref<128x16xf32, #tpu.memory_space<vmem>>, vector<1x16xf32>,
      %swap3A_383 = vector.shape_cast %swap3A_382 : vector<1x16xf32> to vector<16xf32>
      %swap3A_384 = vector.shape_cast %add3A_372 : vector<16xf32> to vector<1x16xf32>
      tpu.vector_store %arg18[%swap3A_380, %swap3A_381], %swap3A_384 {strides = array<i32>} : memref<128x16xf32, #tpu.memory_space<vmem>>, vector<1x16xf32>,
      scf.yield %add3A_295, %add3A_379 : vector<16xf32>, vector<16xf32>
    }
    %scan3A_53 = arith.constant 128 : i32
    %add3A_54 = arith.constant 0 : i32
    %add3A_55 = arith.addi %multiple_of3A, %add3A_54 : i32
    %dma_start3A_56 = arith.constant 0 : i32
    %dma_start3A_57 = tpu.memref_slice %arg7[%add3A_55, %dma_start3A_56] : memref<16384x16xf32, #tpu.memory_space<hbm>> -> memref<128x16xf32, #tpu.memory_space<hbm>>
    %dma_start3A_58 = arith.constant 0 : i32
    %dma_start3A_59 = tpu.memref_slice %arg7[%add3A_55, %dma_start3A_58] : memref<16384x16xf32, #tpu.memory_space<hbm>> -> memref<128x16xf32, #tpu.memory_space<hbm>>
    tpu.enqueue_dma source(%arg18 : memref<128x16xf32, #tpu.memory_space<vmem>>) target(%dma_start3A_59 : memref<128x16xf32, #tpu.memory_space<hbm>>) target_semaphore(%arg23 : memref<!tpu.dma_semaphore, #tpu.memory_space<semaphore_mem>>)
    %dma_start3A_60 = arith.constant 256 : i32
    %dma_start3A_61 = tpu.memref_slice %arg9[%dma_start3A_60] : memref<512xi32, #tpu.memory_space<vmem>> -> memref<128xi32, #tpu.memory_space<vmem>>
    %dma_start3A_62 = arith.constant 0 : i32
    %dma_start3A_63 = arith.constant 0 : i32
    %dma_start3A_64 = tpu.memref_slice %arg2[%dma_start3A_62, %dma_start3A_63] : memref<100000x128xf32, #tpu.memory_space<hbm>> -> memref<100000x128xf32, #tpu.memory_space<hbm>>
    tpu.enqueue_indirect_dma source(%dma_start3A_64 : memref<100000x128xf32, #tpu.memory_space<hbm>>) target(%arg12 : memref<128x128xf32, #tpu.memory_space<vmem>>) offsets(%dma_start3A_61 : memref<128xi32, #tpu.memory_space<vmem>>) semaphore(%arg21 : memref<!tpu.dma_semaphore, #tpu.memory_space<semaphore_mem>>)
    %dma_start3A_65 = arith.constant 256 : i32
    %dma_start3A_66 = tpu.memref_slice %arg10[%dma_start3A_65] : memref<512xi32, #tpu.memory_space<vmem>> -> memref<128xi32, #tpu.memory_space<vmem>>
    %dma_start3A_67 = arith.constant 0 : i32
    %dma_start3A_68 = arith.constant 0 : i32
    %dma_start3A_69 = tpu.memref_slice %arg2[%dma_start3A_67, %dma_start3A_68] : memref<100000x128xf32, #tpu.memory_space<hbm>> -> memref<100000x128xf32, #tpu.memory_space<hbm>>
    tpu.enqueue_indirect_dma source(%dma_start3A_69 : memref<100000x128xf32, #tpu.memory_space<hbm>>) target(%arg13 : memref<128x128xf32, #tpu.memory_space<vmem>>) offsets(%dma_start3A_66 : memref<128xi32, #tpu.memory_space<vmem>>) semaphore(%arg21 : memref<!tpu.dma_semaphore, #tpu.memory_space<semaphore_mem>>)
    %dma_start3A_70 = arith.constant 256 : i32
    %dma_start3A_71 = tpu.memref_slice %arg11[%dma_start3A_70] : memref<512xi32, #tpu.memory_space<vmem>> -> memref<128xi32, #tpu.memory_space<vmem>>
    %dma_start3A_72 = arith.constant 0 : i32
    %dma_start3A_73 = arith.constant 0 : i32
    %dma_start3A_74 = tpu.memref_slice %arg3[%dma_start3A_72, %dma_start3A_73] : memref<1000x128xf32, #tpu.memory_space<hbm>> -> memref<1000x128xf32, #tpu.memory_space<hbm>>
    tpu.enqueue_indirect_dma source(%dma_start3A_74 : memref<1000x128xf32, #tpu.memory_space<hbm>>) target(%arg14 : memref<128x128xf32, #tpu.memory_space<vmem>>) offsets(%dma_start3A_71 : memref<128xi32, #tpu.memory_space<vmem>>) semaphore(%arg21 : memref<!tpu.dma_semaphore, #tpu.memory_space<semaphore_mem>>)
    %dma_wait3A_75 = arith.constant 128 : i32
    %dma_wait3A_76 = tpu.memref_slice %arg9[%dma_wait3A_75] : memref<512xi32, #tpu.memory_space<vmem>> -> memref<128xi32, #tpu.memory_space<vmem>>
    %dma_wait3A_77 = arith.constant 0 : i32
    %dma_wait3A_78 = arith.constant 0 : i32
    %dma_wait3A_79 = tpu.memref_slice %arg2[%dma_wait3A_77, %dma_wait3A_78] : memref<100000x128xf32, #tpu.memory_space<hbm>> -> memref<100000x128xf32, #tpu.memory_space<hbm>>
    tpu.wait_indirect_dma semaphore(%arg22 : memref<!tpu.dma_semaphore, #tpu.memory_space<semaphore_mem>>) src(%dma_wait3A_79 : memref<100000x128xf32, #tpu.memory_space<hbm>>) dst(%arg15 : memref<128x128xf32, #tpu.memory_space<vmem>>)
    %dma_wait3A_80 = arith.constant 128 : i32
    %dma_wait3A_81 = tpu.memref_slice %arg10[%dma_wait3A_80] : memref<512xi32, #tpu.memory_space<vmem>> -> memref<128xi32, #tpu.memory_space<vmem>>
    %dma_wait3A_82 = arith.constant 0 : i32
    %dma_wait3A_83 = arith.constant 0 : i32
    %dma_wait3A_84 = tpu.memref_slice %arg2[%dma_wait3A_82, %dma_wait3A_83] : memref<100000x128xf32, #tpu.memory_space<hbm>> -> memref<100000x128xf32, #tpu.memory_space<hbm>>
    tpu.wait_indirect_dma semaphore(%arg22 : memref<!tpu.dma_semaphore, #tpu.memory_space<semaphore_mem>>) src(%dma_wait3A_84 : memref<100000x128xf32, #tpu.memory_space<hbm>>) dst(%arg16 : memref<128x128xf32, #tpu.memory_space<vmem>>)
    %dma_wait3A_85 = arith.constant 128 : i32
    %dma_wait3A_86 = tpu.memref_slice %arg11[%dma_wait3A_85] : memref<512xi32, #tpu.memory_space<vmem>> -> memref<128xi32, #tpu.memory_space<vmem>>
    %dma_wait3A_87 = arith.constant 0 : i32
    %dma_wait3A_88 = arith.constant 0 : i32
    %dma_wait3A_89 = tpu.memref_slice %arg3[%dma_wait3A_87, %dma_wait3A_88] : memref<1000x128xf32, #tpu.memory_space<hbm>> -> memref<1000x128xf32, #tpu.memory_space<hbm>>
    tpu.wait_indirect_dma semaphore(%arg22 : memref<!tpu.dma_semaphore, #tpu.memory_space<semaphore_mem>>) src(%dma_wait3A_89 : memref<1000x128xf32, #tpu.memory_space<hbm>>) dst(%arg17 : memref<128x128xf32, #tpu.memory_space<vmem>>)
    %scan3A_90 = arith.constant 0 : i32
    %scan3A_91 = arith.constant 128 : i32
    %scan3A_92 = arith.addi %scan3A_90, %scan3A_91 : i32
    %scan3A_93 = arith.constant 1 : i32
    %scan3A_94:2 = scf.for %scan3A_204 = %scan3A_90 to %scan3A_92 step %scan3A_93 iter_args(%scan3A_205 = %scan3A_52#0, %scan3A_206 = %scan3A_52#1) -> (vector<16xf32>, vector<16xf32>)  : i32 {
      %get3A = arith.index_cast %scan3A_204 : i32 to index
      %get3A_207 = arith.constant 0 : index
      %get3A_208 = tpu.vector_load %arg15[%get3A, %get3A_207] {strides = array<i32>} : memref<128x128xf32, #tpu.memory_space<vmem>>, vector<1x16xf32>,
      %get3A_209 = vector.shape_cast %get3A_208 : vector<1x16xf32> to vector<16xf32>
      %get3A_210 = arith.index_cast %scan3A_204 : i32 to index
      %get3A_211 = arith.constant 32 : index
      %get3A_212 = tpu.vector_load %arg15[%get3A_210, %get3A_211] {strides = array<i32>} : memref<128x128xf32, #tpu.memory_space<vmem>>, vector<1x16xf32>,
      %get3A_213 = vector.shape_cast %get3A_212 : vector<1x16xf32> to vector<16xf32>
      %get3A_214 = arith.index_cast %scan3A_204 : i32 to index
      %get3A_215 = arith.constant 0 : index
      %get3A_216 = tpu.vector_load %arg16[%get3A_214, %get3A_215] {strides = array<i32>} : memref<128x128xf32, #tpu.memory_space<vmem>>, vector<1x16xf32>,
      %get3A_217 = vector.shape_cast %get3A_216 : vector<1x16xf32> to vector<16xf32>
      %get3A_218 = arith.index_cast %scan3A_204 : i32 to index
      %get3A_219 = arith.constant 32 : index
      %get3A_220 = tpu.vector_load %arg16[%get3A_218, %get3A_219] {strides = array<i32>} : memref<128x128xf32, #tpu.memory_space<vmem>>, vector<1x16xf32>,
      %get3A_221 = vector.shape_cast %get3A_220 : vector<1x16xf32> to vector<16xf32>
      %get3A_222 = arith.index_cast %scan3A_204 : i32 to index
      %get3A_223 = arith.constant 0 : index
      %get3A_224 = tpu.vector_load %arg17[%get3A_222, %get3A_223] {strides = array<i32>} : memref<128x128xf32, #tpu.memory_space<vmem>>, vector<1x16xf32>,
      %get3A_225 = vector.shape_cast %get3A_224 : vector<1x16xf32> to vector<16xf32>
      %get3A_226 = arith.index_cast %scan3A_204 : i32 to index
      %get3A_227 = arith.constant 32 : index
      %get3A_228 = tpu.vector_load %arg17[%get3A_226, %get3A_227] {strides = array<i32>} : memref<128x128xf32, #tpu.memory_space<vmem>>, vector<1x16xf32>,
      %get3A_229 = vector.shape_cast %get3A_228 : vector<1x16xf32> to vector<16xf32>
      %mul3A_230 = arith.mulf %get3A_209, %get3A_217 : vector<16xf32>
      %mul3A_231 = arith.mulf %get3A_213, %get3A_221 : vector<16xf32>
      %add3A_232 = arith.addf %mul3A_230, %mul3A_231 : vector<16xf32>
      %mul3A_233 = arith.mulf %add3A_232, %get3A_225 : vector<16xf32>
      %mul3A_234 = arith.mulf %get3A_209, %get3A_221 : vector<16xf32>
      %mul3A_235 = arith.mulf %get3A_213, %get3A_217 : vector<16xf32>
      %sub3A = arith.subf %mul3A_234, %mul3A_235 : vector<16xf32>
      %mul3A_236 = arith.mulf %sub3A, %get3A_229 : vector<16xf32>
      %add3A_237 = arith.addf %mul3A_233, %mul3A_236 : vector<16xf32>
      %mul3A_238 = arith.mulf %get3A_209, %get3A_209 : vector<16xf32>
      %mul3A_239 = arith.mulf %get3A_213, %get3A_213 : vector<16xf32>
      %add3A_240 = arith.addf %mul3A_238, %mul3A_239 : vector<16xf32>
      %mul3A_241 = arith.mulf %get3A_217, %get3A_217 : vector<16xf32>
      %mul3A_242 = arith.mulf %get3A_221, %get3A_221 : vector<16xf32>
      %add3A_243 = arith.addf %mul3A_241, %mul3A_242 : vector<16xf32>
      %add3A_244 = arith.addf %add3A_240, %add3A_243 : vector<16xf32>
      %mul3A_245 = arith.mulf %get3A_225, %get3A_225 : vector<16xf32>
      %mul3A_246 = arith.mulf %get3A_229, %get3A_229 : vector<16xf32>
      %add3A_247 = arith.addf %mul3A_245, %mul3A_246 : vector<16xf32>
      %add3A_248 = arith.addf %add3A_244, %add3A_247 : vector<16xf32>
      %add3A_249 = arith.addf %scan3A_205, %add3A_248 : vector<16xf32>
      %get3A_250 = arith.index_cast %scan3A_204 : i32 to index
      %get3A_251 = arith.constant 16 : index
      %get3A_252 = tpu.vector_load %arg15[%get3A_250, %get3A_251] {strides = array<i32>} : memref<128x128xf32, #tpu.memory_space<vmem>>, vector<1x16xf32>,
      %get3A_253 = vector.shape_cast %get3A_252 : vector<1x16xf32> to vector<16xf32>
      %get3A_254 = arith.index_cast %scan3A_204 : i32 to index
      %get3A_255 = arith.constant 48 : index
      %get3A_256 = tpu.vector_load %arg15[%get3A_254, %get3A_255] {strides = array<i32>} : memref<128x128xf32, #tpu.memory_space<vmem>>, vector<1x16xf32>,
      %get3A_257 = vector.shape_cast %get3A_256 : vector<1x16xf32> to vector<16xf32>
      %get3A_258 = arith.index_cast %scan3A_204 : i32 to index
      %get3A_259 = arith.constant 16 : index
      %get3A_260 = tpu.vector_load %arg16[%get3A_258, %get3A_259] {strides = array<i32>} : memref<128x128xf32, #tpu.memory_space<vmem>>, vector<1x16xf32>,
      %get3A_261 = vector.shape_cast %get3A_260 : vector<1x16xf32> to vector<16xf32>
      %get3A_262 = arith.index_cast %scan3A_204 : i32 to index
      %get3A_263 = arith.constant 48 : index
      %get3A_264 = tpu.vector_load %arg16[%get3A_262, %get3A_263] {strides = array<i32>} : memref<128x128xf32, #tpu.memory_space<vmem>>, vector<1x16xf32>,
      %get3A_265 = vector.shape_cast %get3A_264 : vector<1x16xf32> to vector<16xf32>
      %get3A_266 = arith.index_cast %scan3A_204 : i32 to index
      %get3A_267 = arith.constant 16 : index
      %get3A_268 = tpu.vector_load %arg17[%get3A_266, %get3A_267] {strides = array<i32>} : memref<128x128xf32, #tpu.memory_space<vmem>>, vector<1x16xf32>,
      %get3A_269 = vector.shape_cast %get3A_268 : vector<1x16xf32> to vector<16xf32>
      %get3A_270 = arith.index_cast %scan3A_204 : i32 to index
      %get3A_271 = arith.constant 48 : index
      %get3A_272 = tpu.vector_load %arg17[%get3A_270, %get3A_271] {strides = array<i32>} : memref<128x128xf32, #tpu.memory_space<vmem>>, vector<1x16xf32>,
      %get3A_273 = vector.shape_cast %get3A_272 : vector<1x16xf32> to vector<16xf32>
      %mul3A_274 = arith.mulf %get3A_253, %get3A_261 : vector<16xf32>
      %mul3A_275 = arith.mulf %get3A_257, %get3A_265 : vector<16xf32>
      %add3A_276 = arith.addf %mul3A_274, %mul3A_275 : vector<16xf32>
      %mul3A_277 = arith.mulf %add3A_276, %get3A_269 : vector<16xf32>
      %mul3A_278 = arith.mulf %get3A_253, %get3A_265 : vector<16xf32>
      %mul3A_279 = arith.mulf %get3A_257, %get3A_261 : vector<16xf32>
      %sub3A_280 = arith.subf %mul3A_278, %mul3A_279 : vector<16xf32>
      %mul3A_281 = arith.mulf %sub3A_280, %get3A_273 : vector<16xf32>
      %add3A_282 = arith.addf %mul3A_277, %mul3A_281 : vector<16xf32>
      %add3A_283 = arith.addf %add3A_237, %add3A_282 : vector<16xf32>
      %mul3A_284 = arith.mulf %get3A_253, %get3A_253 : vector<16xf32>
      %mul3A_285 = arith.mulf %get3A_257, %get3A_257 : vector<16xf32>
      %add3A_286 = arith.addf %mul3A_284, %mul3A_285 : vector<16xf32>
      %mul3A_287 = arith.mulf %get3A_261, %get3A_261 : vector<16xf32>
      %mul3A_288 = arith.mulf %get3A_265, %get3A_265 : vector<16xf32>
      %add3A_289 = arith.addf %mul3A_287, %mul3A_288 : vector<16xf32>
      %add3A_290 = arith.addf %add3A_286, %add3A_289 : vector<16xf32>
      %mul3A_291 = arith.mulf %get3A_269, %get3A_269 : vector<16xf32>
      %mul3A_292 = arith.mulf %get3A_273, %get3A_273 : vector<16xf32>
      %add3A_293 = arith.addf %mul3A_291, %mul3A_292 : vector<16xf32>
      %add3A_294 = arith.addf %add3A_290, %add3A_293 : vector<16xf32>
      %add3A_295 = arith.addf %add3A_249, %add3A_294 : vector<16xf32>
      %get3A_296 = arith.index_cast %scan3A_204 : i32 to index
      %get3A_297 = arith.constant 64 : index
      %get3A_298 = tpu.vector_load %arg15[%get3A_296, %get3A_297] {strides = array<i32>} : memref<128x128xf32, #tpu.memory_space<vmem>>, vector<1x16xf32>,
      %get3A_299 = vector.shape_cast %get3A_298 : vector<1x16xf32> to vector<16xf32>
      %get3A_300 = arith.index_cast %scan3A_204 : i32 to index
      %get3A_301 = arith.constant 64 : index
      %get3A_302 = tpu.vector_load %arg16[%get3A_300, %get3A_301] {strides = array<i32>} : memref<128x128xf32, #tpu.memory_space<vmem>>, vector<1x16xf32>,
      %get3A_303 = vector.shape_cast %get3A_302 : vector<1x16xf32> to vector<16xf32>
      %get3A_304 = arith.index_cast %scan3A_204 : i32 to index
      %get3A_305 = arith.constant 64 : index
      %get3A_306 = tpu.vector_load %arg17[%get3A_304, %get3A_305] {strides = array<i32>} : memref<128x128xf32, #tpu.memory_space<vmem>>, vector<1x16xf32>,
      %get3A_307 = vector.shape_cast %get3A_306 : vector<1x16xf32> to vector<16xf32>
      %mul3A_308 = arith.mulf %get3A_299, %get3A_303 : vector<16xf32>
      %mul3A_309 = arith.mulf %mul3A_308, %get3A_307 : vector<16xf32>
      %add3A_310 = arith.addf %add3A_283, %mul3A_309 : vector<16xf32>
      %mul3A_311 = arith.mulf %get3A_299, %get3A_299 : vector<16xf32>
      %mul3A_312 = arith.mulf %get3A_303, %get3A_303 : vector<16xf32>
      %add3A_313 = arith.addf %mul3A_311, %mul3A_312 : vector<16xf32>
      %mul3A_314 = arith.mulf %get3A_307, %get3A_307 : vector<16xf32>
      %add3A_315 = arith.addf %add3A_313, %mul3A_314 : vector<16xf32>
      %get3A_316 = arith.index_cast %scan3A_204 : i32 to index
      %get3A_317 = arith.constant 80 : index
      %get3A_318 = tpu.vector_load %arg15[%get3A_316, %get3A_317] {strides = array<i32>} : memref<128x128xf32, #tpu.memory_space<vmem>>, vector<1x16xf32>,
      %get3A_319 = vector.shape_cast %get3A_318 : vector<1x16xf32> to vector<16xf32>
      %get3A_320 = arith.index_cast %scan3A_204 : i32 to index
      %get3A_321 = arith.constant 80 : index
      %get3A_322 = tpu.vector_load %arg16[%get3A_320, %get3A_321] {strides = array<i32>} : memref<128x128xf32, #tpu.memory_space<vmem>>, vector<1x16xf32>,
      %get3A_323 = vector.shape_cast %get3A_322 : vector<1x16xf32> to vector<16xf32>
      %get3A_324 = arith.index_cast %scan3A_204 : i32 to index
      %get3A_325 = arith.constant 80 : index
      %get3A_326 = tpu.vector_load %arg17[%get3A_324, %get3A_325] {strides = array<i32>} : memref<128x128xf32, #tpu.memory_space<vmem>>, vector<1x16xf32>,
      %get3A_327 = vector.shape_cast %get3A_326 : vector<1x16xf32> to vector<16xf32>
      %mul3A_328 = arith.mulf %get3A_319, %get3A_323 : vector<16xf32>
      %mul3A_329 = arith.mulf %mul3A_328, %get3A_327 : vector<16xf32>
      %add3A_330 = arith.addf %add3A_310, %mul3A_329 : vector<16xf32>
      %mul3A_331 = arith.mulf %get3A_319, %get3A_319 : vector<16xf32>
      %mul3A_332 = arith.mulf %get3A_323, %get3A_323 : vector<16xf32>
      %add3A_333 = arith.addf %mul3A_331, %mul3A_332 : vector<16xf32>
      %mul3A_334 = arith.mulf %get3A_327, %get3A_327 : vector<16xf32>
      %add3A_335 = arith.addf %add3A_333, %mul3A_334 : vector<16xf32>
      %add3A_336 = arith.addf %add3A_315, %add3A_335 : vector<16xf32>
      %get3A_337 = arith.index_cast %scan3A_204 : i32 to index
      %get3A_338 = arith.constant 96 : index
      %get3A_339 = tpu.vector_load %arg15[%get3A_337, %get3A_338] {strides = array<i32>} : memref<128x128xf32, #tpu.memory_space<vmem>>, vector<1x16xf32>,
      %get3A_340 = vector.shape_cast %get3A_339 : vector<1x16xf32> to vector<16xf32>
      %get3A_341 = arith.index_cast %scan3A_204 : i32 to index
      %get3A_342 = arith.constant 96 : index
      %get3A_343 = tpu.vector_load %arg16[%get3A_341, %get3A_342] {strides = array<i32>} : memref<128x128xf32, #tpu.memory_space<vmem>>, vector<1x16xf32>,
      %get3A_344 = vector.shape_cast %get3A_343 : vector<1x16xf32> to vector<16xf32>
      %get3A_345 = arith.index_cast %scan3A_204 : i32 to index
      %get3A_346 = arith.constant 96 : index
      %get3A_347 = tpu.vector_load %arg17[%get3A_345, %get3A_346] {strides = array<i32>} : memref<128x128xf32, #tpu.memory_space<vmem>>, vector<1x16xf32>,
      %get3A_348 = vector.shape_cast %get3A_347 : vector<1x16xf32> to vector<16xf32>
      %mul3A_349 = arith.mulf %get3A_340, %get3A_344 : vector<16xf32>
      %mul3A_350 = arith.mulf %mul3A_349, %get3A_348 : vector<16xf32>
      %add3A_351 = arith.addf %add3A_330, %mul3A_350 : vector<16xf32>
      %mul3A_352 = arith.mulf %get3A_340, %get3A_340 : vector<16xf32>
      %mul3A_353 = arith.mulf %get3A_344, %get3A_344 : vector<16xf32>
      %add3A_354 = arith.addf %mul3A_352, %mul3A_353 : vector<16xf32>
      %mul3A_355 = arith.mulf %get3A_348, %get3A_348 : vector<16xf32>
      %add3A_356 = arith.addf %add3A_354, %mul3A_355 : vector<16xf32>
      %add3A_357 = arith.addf %add3A_336, %add3A_356 : vector<16xf32>
      %get3A_358 = arith.index_cast %scan3A_204 : i32 to index
      %get3A_359 = arith.constant 112 : index
      %get3A_360 = tpu.vector_load %arg15[%get3A_358, %get3A_359] {strides = array<i32>} : memref<128x128xf32, #tpu.memory_space<vmem>>, vector<1x16xf32>,
      %get3A_361 = vector.shape_cast %get3A_360 : vector<1x16xf32> to vector<16xf32>
      %get3A_362 = arith.index_cast %scan3A_204 : i32 to index
      %get3A_363 = arith.constant 112 : index
      %get3A_364 = tpu.vector_load %arg16[%get3A_362, %get3A_363] {strides = array<i32>} : memref<128x128xf32, #tpu.memory_space<vmem>>, vector<1x16xf32>,
      %get3A_365 = vector.shape_cast %get3A_364 : vector<1x16xf32> to vector<16xf32>
      %get3A_366 = arith.index_cast %scan3A_204 : i32 to index
      %get3A_367 = arith.constant 112 : index
      %get3A_368 = tpu.vector_load %arg17[%get3A_366, %get3A_367] {strides = array<i32>} : memref<128x128xf32, #tpu.memory_space<vmem>>, vector<1x16xf32>,
      %get3A_369 = vector.shape_cast %get3A_368 : vector<1x16xf32> to vector<16xf32>
      %mul3A_370 = arith.mulf %get3A_361, %get3A_365 : vector<16xf32>
      %mul3A_371 = arith.mulf %mul3A_370, %get3A_369 : vector<16xf32>
      %add3A_372 = arith.addf %add3A_351, %mul3A_371 : vector<16xf32>
      %mul3A_373 = arith.mulf %get3A_361, %get3A_361 : vector<16xf32>
      %mul3A_374 = arith.mulf %get3A_365, %get3A_365 : vector<16xf32>
      %add3A_375 = arith.addf %mul3A_373, %mul3A_374 : vector<16xf32>
      %mul3A_376 = arith.mulf %get3A_369, %get3A_369 : vector<16xf32>
      %add3A_377 = arith.addf %add3A_375, %mul3A_376 : vector<16xf32>
      %add3A_378 = arith.addf %add3A_357, %add3A_377 : vector<16xf32>
      %add3A_379 = arith.addf %scan3A_206, %add3A_378 : vector<16xf32>
      %swap3A_380 = arith.index_cast %scan3A_204 : i32 to index
      %swap3A_381 = arith.constant 0 : index
      %swap3A_382 = tpu.vector_load %arg19[%swap3A_380, %swap3A_381] {strides = array<i32>} : memref<128x16xf32, #tpu.memory_space<vmem>>, vector<1x16xf32>,
      %swap3A_383 = vector.shape_cast %swap3A_382 : vector<1x16xf32> to vector<16xf32>
      %swap3A_384 = vector.shape_cast %add3A_372 : vector<16xf32> to vector<1x16xf32>
      tpu.vector_store %arg19[%swap3A_380, %swap3A_381], %swap3A_384 {strides = array<i32>} : memref<128x16xf32, #tpu.memory_space<vmem>>, vector<1x16xf32>,
      scf.yield %add3A_295, %add3A_379 : vector<16xf32>, vector<16xf32>
    }
    %scan3A_95 = arith.constant 128 : i32
    %dma_wait3A_96 = arith.constant 0 : i32
    %dma_wait3A_97 = tpu.memref_slice %arg7[%add3A_55, %dma_wait3A_96] : memref<16384x16xf32, #tpu.memory_space<hbm>> -> memref<128x16xf32, #tpu.memory_space<hbm>>
    %dma_wait3A_98 = arith.constant 0 : i32
    %dma_wait3A_99 = tpu.memref_slice %arg7[%add3A_55, %dma_wait3A_98] : memref<16384x16xf32, #tpu.memory_space<hbm>> -> memref<128x16xf32, #tpu.memory_space<hbm>>
    tpu.wait_dma2 semaphore(%arg23 : memref<!tpu.dma_semaphore, #tpu.memory_space<semaphore_mem>>) src(%arg18 : memref<128x16xf32, #tpu.memory_space<vmem>>) dst(%dma_wait3A_99 : memref<128x16xf32, #tpu.memory_space<hbm>>)
    %add3A_100 = arith.constant 128 : i32
    %add3A_101 = arith.addi %multiple_of3A, %add3A_100 : i32
    %dma_start3A_102 = arith.constant 0 : i32
    %dma_start3A_103 = tpu.memref_slice %arg7[%add3A_101, %dma_start3A_102] : memref<16384x16xf32, #tpu.memory_space<hbm>> -> memref<128x16xf32, #tpu.memory_space<hbm>>
    %dma_start3A_104 = arith.constant 0 : i32
    %dma_start3A_105 = tpu.memref_slice %arg7[%add3A_101, %dma_start3A_104] : memref<16384x16xf32, #tpu.memory_space<hbm>> -> memref<128x16xf32, #tpu.memory_space<hbm>>
    tpu.enqueue_dma source(%arg19 : memref<128x16xf32, #tpu.memory_space<vmem>>) target(%dma_start3A_105 : memref<128x16xf32, #tpu.memory_space<hbm>>) target_semaphore(%arg23 : memref<!tpu.dma_semaphore, #tpu.memory_space<semaphore_mem>>)
    %dma_start3A_106 = arith.constant 384 : i32
    %dma_start3A_107 = tpu.memref_slice %arg9[%dma_start3A_106] : memref<512xi32, #tpu.memory_space<vmem>> -> memref<128xi32, #tpu.memory_space<vmem>>
    %dma_start3A_108 = arith.constant 0 : i32
    %dma_start3A_109 = arith.constant 0 : i32
    %dma_start3A_110 = tpu.memref_slice %arg2[%dma_start3A_108, %dma_start3A_109] : memref<100000x128xf32, #tpu.memory_space<hbm>> -> memref<100000x128xf32, #tpu.memory_space<hbm>>
    tpu.enqueue_indirect_dma source(%dma_start3A_110 : memref<100000x128xf32, #tpu.memory_space<hbm>>) target(%arg15 : memref<128x128xf32, #tpu.memory_space<vmem>>) offsets(%dma_start3A_107 : memref<128xi32, #tpu.memory_space<vmem>>) semaphore(%arg22 : memref<!tpu.dma_semaphore, #tpu.memory_space<semaphore_mem>>)
    %dma_start3A_111 = arith.constant 384 : i32
    %dma_start3A_112 = tpu.memref_slice %arg10[%dma_start3A_111] : memref<512xi32, #tpu.memory_space<vmem>> -> memref<128xi32, #tpu.memory_space<vmem>>
    %dma_start3A_113 = arith.constant 0 : i32
    %dma_start3A_114 = arith.constant 0 : i32
    %dma_start3A_115 = tpu.memref_slice %arg2[%dma_start3A_113, %dma_start3A_114] : memref<100000x128xf32, #tpu.memory_space<hbm>> -> memref<100000x128xf32, #tpu.memory_space<hbm>>
    tpu.enqueue_indirect_dma source(%dma_start3A_115 : memref<100000x128xf32, #tpu.memory_space<hbm>>) target(%arg16 : memref<128x128xf32, #tpu.memory_space<vmem>>) offsets(%dma_start3A_112 : memref<128xi32, #tpu.memory_space<vmem>>) semaphore(%arg22 : memref<!tpu.dma_semaphore, #tpu.memory_space<semaphore_mem>>)
    %dma_start3A_116 = arith.constant 384 : i32
    %dma_start3A_117 = tpu.memref_slice %arg11[%dma_start3A_116] : memref<512xi32, #tpu.memory_space<vmem>> -> memref<128xi32, #tpu.memory_space<vmem>>
    %dma_start3A_118 = arith.constant 0 : i32
    %dma_start3A_119 = arith.constant 0 : i32
    %dma_start3A_120 = tpu.memref_slice %arg3[%dma_start3A_118, %dma_start3A_119] : memref<1000x128xf32, #tpu.memory_space<hbm>> -> memref<1000x128xf32, #tpu.memory_space<hbm>>
    tpu.enqueue_indirect_dma source(%dma_start3A_120 : memref<1000x128xf32, #tpu.memory_space<hbm>>) target(%arg17 : memref<128x128xf32, #tpu.memory_space<vmem>>) offsets(%dma_start3A_117 : memref<128xi32, #tpu.memory_space<vmem>>) semaphore(%arg22 : memref<!tpu.dma_semaphore, #tpu.memory_space<semaphore_mem>>)
    %dma_wait3A_121 = arith.constant 256 : i32
    %dma_wait3A_122 = tpu.memref_slice %arg9[%dma_wait3A_121] : memref<512xi32, #tpu.memory_space<vmem>> -> memref<128xi32, #tpu.memory_space<vmem>>
    %dma_wait3A_123 = arith.constant 0 : i32
    %dma_wait3A_124 = arith.constant 0 : i32
    %dma_wait3A_125 = tpu.memref_slice %arg2[%dma_wait3A_123, %dma_wait3A_124] : memref<100000x128xf32, #tpu.memory_space<hbm>> -> memref<100000x128xf32, #tpu.memory_space<hbm>>
    tpu.wait_indirect_dma semaphore(%arg21 : memref<!tpu.dma_semaphore, #tpu.memory_space<semaphore_mem>>) src(%dma_wait3A_125 : memref<100000x128xf32, #tpu.memory_space<hbm>>) dst(%arg12 : memref<128x128xf32, #tpu.memory_space<vmem>>)
    %dma_wait3A_126 = arith.constant 256 : i32
    %dma_wait3A_127 = tpu.memref_slice %arg10[%dma_wait3A_126] : memref<512xi32, #tpu.memory_space<vmem>> -> memref<128xi32, #tpu.memory_space<vmem>>
    %dma_wait3A_128 = arith.constant 0 : i32
    %dma_wait3A_129 = arith.constant 0 : i32
    %dma_wait3A_130 = tpu.memref_slice %arg2[%dma_wait3A_128, %dma_wait3A_129] : memref<100000x128xf32, #tpu.memory_space<hbm>> -> memref<100000x128xf32, #tpu.memory_space<hbm>>
    tpu.wait_indirect_dma semaphore(%arg21 : memref<!tpu.dma_semaphore, #tpu.memory_space<semaphore_mem>>) src(%dma_wait3A_130 : memref<100000x128xf32, #tpu.memory_space<hbm>>) dst(%arg13 : memref<128x128xf32, #tpu.memory_space<vmem>>)
    %dma_wait3A_131 = arith.constant 256 : i32
    %dma_wait3A_132 = tpu.memref_slice %arg11[%dma_wait3A_131] : memref<512xi32, #tpu.memory_space<vmem>> -> memref<128xi32, #tpu.memory_space<vmem>>
    %dma_wait3A_133 = arith.constant 0 : i32
    %dma_wait3A_134 = arith.constant 0 : i32
    %dma_wait3A_135 = tpu.memref_slice %arg3[%dma_wait3A_133, %dma_wait3A_134] : memref<1000x128xf32, #tpu.memory_space<hbm>> -> memref<1000x128xf32, #tpu.memory_space<hbm>>
    tpu.wait_indirect_dma semaphore(%arg21 : memref<!tpu.dma_semaphore, #tpu.memory_space<semaphore_mem>>) src(%dma_wait3A_135 : memref<1000x128xf32, #tpu.memory_space<hbm>>) dst(%arg14 : memref<128x128xf32, #tpu.memory_space<vmem>>)
    %scan3A_136 = arith.constant 0 : i32
    %scan3A_137 = arith.constant 128 : i32
    %scan3A_138 = arith.addi %scan3A_136, %scan3A_137 : i32
    %scan3A_139 = arith.constant 1 : i32
    %scan3A_140:2 = scf.for %scan3A_204 = %scan3A_136 to %scan3A_138 step %scan3A_139 iter_args(%scan3A_205 = %scan3A_94#0, %scan3A_206 = %scan3A_94#1) -> (vector<16xf32>, vector<16xf32>)  : i32 {
      %get3A = arith.index_cast %scan3A_204 : i32 to index
      %get3A_207 = arith.constant 0 : index
      %get3A_208 = tpu.vector_load %arg12[%get3A, %get3A_207] {strides = array<i32>} : memref<128x128xf32, #tpu.memory_space<vmem>>, vector<1x16xf32>,
      %get3A_209 = vector.shape_cast %get3A_208 : vector<1x16xf32> to vector<16xf32>
      %get3A_210 = arith.index_cast %scan3A_204 : i32 to index
      %get3A_211 = arith.constant 32 : index
      %get3A_212 = tpu.vector_load %arg12[%get3A_210, %get3A_211] {strides = array<i32>} : memref<128x128xf32, #tpu.memory_space<vmem>>, vector<1x16xf32>,
      %get3A_213 = vector.shape_cast %get3A_212 : vector<1x16xf32> to vector<16xf32>
      %get3A_214 = arith.index_cast %scan3A_204 : i32 to index
      %get3A_215 = arith.constant 0 : index
      %get3A_216 = tpu.vector_load %arg13[%get3A_214, %get3A_215] {strides = array<i32>} : memref<128x128xf32, #tpu.memory_space<vmem>>, vector<1x16xf32>,
      %get3A_217 = vector.shape_cast %get3A_216 : vector<1x16xf32> to vector<16xf32>
      %get3A_218 = arith.index_cast %scan3A_204 : i32 to index
      %get3A_219 = arith.constant 32 : index
      %get3A_220 = tpu.vector_load %arg13[%get3A_218, %get3A_219] {strides = array<i32>} : memref<128x128xf32, #tpu.memory_space<vmem>>, vector<1x16xf32>,
      %get3A_221 = vector.shape_cast %get3A_220 : vector<1x16xf32> to vector<16xf32>
      %get3A_222 = arith.index_cast %scan3A_204 : i32 to index
      %get3A_223 = arith.constant 0 : index
      %get3A_224 = tpu.vector_load %arg14[%get3A_222, %get3A_223] {strides = array<i32>} : memref<128x128xf32, #tpu.memory_space<vmem>>, vector<1x16xf32>,
      %get3A_225 = vector.shape_cast %get3A_224 : vector<1x16xf32> to vector<16xf32>
      %get3A_226 = arith.index_cast %scan3A_204 : i32 to index
      %get3A_227 = arith.constant 32 : index
      %get3A_228 = tpu.vector_load %arg14[%get3A_226, %get3A_227] {strides = array<i32>} : memref<128x128xf32, #tpu.memory_space<vmem>>, vector<1x16xf32>,
      %get3A_229 = vector.shape_cast %get3A_228 : vector<1x16xf32> to vector<16xf32>
      %mul3A_230 = arith.mulf %get3A_209, %get3A_217 : vector<16xf32>
      %mul3A_231 = arith.mulf %get3A_213, %get3A_221 : vector<16xf32>
      %add3A_232 = arith.addf %mul3A_230, %mul3A_231 : vector<16xf32>
      %mul3A_233 = arith.mulf %add3A_232, %get3A_225 : vector<16xf32>
      %mul3A_234 = arith.mulf %get3A_209, %get3A_221 : vector<16xf32>
      %mul3A_235 = arith.mulf %get3A_213, %get3A_217 : vector<16xf32>
      %sub3A = arith.subf %mul3A_234, %mul3A_235 : vector<16xf32>
      %mul3A_236 = arith.mulf %sub3A, %get3A_229 : vector<16xf32>
      %add3A_237 = arith.addf %mul3A_233, %mul3A_236 : vector<16xf32>
      %mul3A_238 = arith.mulf %get3A_209, %get3A_209 : vector<16xf32>
      %mul3A_239 = arith.mulf %get3A_213, %get3A_213 : vector<16xf32>
      %add3A_240 = arith.addf %mul3A_238, %mul3A_239 : vector<16xf32>
      %mul3A_241 = arith.mulf %get3A_217, %get3A_217 : vector<16xf32>
      %mul3A_242 = arith.mulf %get3A_221, %get3A_221 : vector<16xf32>
      %add3A_243 = arith.addf %mul3A_241, %mul3A_242 : vector<16xf32>
      %add3A_244 = arith.addf %add3A_240, %add3A_243 : vector<16xf32>
      %mul3A_245 = arith.mulf %get3A_225, %get3A_225 : vector<16xf32>
      %mul3A_246 = arith.mulf %get3A_229, %get3A_229 : vector<16xf32>
      %add3A_247 = arith.addf %mul3A_245, %mul3A_246 : vector<16xf32>
      %add3A_248 = arith.addf %add3A_244, %add3A_247 : vector<16xf32>
      %add3A_249 = arith.addf %scan3A_205, %add3A_248 : vector<16xf32>
      %get3A_250 = arith.index_cast %scan3A_204 : i32 to index
      %get3A_251 = arith.constant 16 : index
      %get3A_252 = tpu.vector_load %arg12[%get3A_250, %get3A_251] {strides = array<i32>} : memref<128x128xf32, #tpu.memory_space<vmem>>, vector<1x16xf32>,
      %get3A_253 = vector.shape_cast %get3A_252 : vector<1x16xf32> to vector<16xf32>
      %get3A_254 = arith.index_cast %scan3A_204 : i32 to index
      %get3A_255 = arith.constant 48 : index
      %get3A_256 = tpu.vector_load %arg12[%get3A_254, %get3A_255] {strides = array<i32>} : memref<128x128xf32, #tpu.memory_space<vmem>>, vector<1x16xf32>,
      %get3A_257 = vector.shape_cast %get3A_256 : vector<1x16xf32> to vector<16xf32>
      %get3A_258 = arith.index_cast %scan3A_204 : i32 to index
      %get3A_259 = arith.constant 16 : index
      %get3A_260 = tpu.vector_load %arg13[%get3A_258, %get3A_259] {strides = array<i32>} : memref<128x128xf32, #tpu.memory_space<vmem>>, vector<1x16xf32>,
      %get3A_261 = vector.shape_cast %get3A_260 : vector<1x16xf32> to vector<16xf32>
      %get3A_262 = arith.index_cast %scan3A_204 : i32 to index
      %get3A_263 = arith.constant 48 : index
      %get3A_264 = tpu.vector_load %arg13[%get3A_262, %get3A_263] {strides = array<i32>} : memref<128x128xf32, #tpu.memory_space<vmem>>, vector<1x16xf32>,
      %get3A_265 = vector.shape_cast %get3A_264 : vector<1x16xf32> to vector<16xf32>
      %get3A_266 = arith.index_cast %scan3A_204 : i32 to index
      %get3A_267 = arith.constant 16 : index
      %get3A_268 = tpu.vector_load %arg14[%get3A_266, %get3A_267] {strides = array<i32>} : memref<128x128xf32, #tpu.memory_space<vmem>>, vector<1x16xf32>,
      %get3A_269 = vector.shape_cast %get3A_268 : vector<1x16xf32> to vector<16xf32>
      %get3A_270 = arith.index_cast %scan3A_204 : i32 to index
      %get3A_271 = arith.constant 48 : index
      %get3A_272 = tpu.vector_load %arg14[%get3A_270, %get3A_271] {strides = array<i32>} : memref<128x128xf32, #tpu.memory_space<vmem>>, vector<1x16xf32>,
      %get3A_273 = vector.shape_cast %get3A_272 : vector<1x16xf32> to vector<16xf32>
      %mul3A_274 = arith.mulf %get3A_253, %get3A_261 : vector<16xf32>
      %mul3A_275 = arith.mulf %get3A_257, %get3A_265 : vector<16xf32>
      %add3A_276 = arith.addf %mul3A_274, %mul3A_275 : vector<16xf32>
      %mul3A_277 = arith.mulf %add3A_276, %get3A_269 : vector<16xf32>
      %mul3A_278 = arith.mulf %get3A_253, %get3A_265 : vector<16xf32>
      %mul3A_279 = arith.mulf %get3A_257, %get3A_261 : vector<16xf32>
      %sub3A_280 = arith.subf %mul3A_278, %mul3A_279 : vector<16xf32>
      %mul3A_281 = arith.mulf %sub3A_280, %get3A_273 : vector<16xf32>
      %add3A_282 = arith.addf %mul3A_277, %mul3A_281 : vector<16xf32>
      %add3A_283 = arith.addf %add3A_237, %add3A_282 : vector<16xf32>
      %mul3A_284 = arith.mulf %get3A_253, %get3A_253 : vector<16xf32>
      %mul3A_285 = arith.mulf %get3A_257, %get3A_257 : vector<16xf32>
      %add3A_286 = arith.addf %mul3A_284, %mul3A_285 : vector<16xf32>
      %mul3A_287 = arith.mulf %get3A_261, %get3A_261 : vector<16xf32>
      %mul3A_288 = arith.mulf %get3A_265, %get3A_265 : vector<16xf32>
      %add3A_289 = arith.addf %mul3A_287, %mul3A_288 : vector<16xf32>
      %add3A_290 = arith.addf %add3A_286, %add3A_289 : vector<16xf32>
      %mul3A_291 = arith.mulf %get3A_269, %get3A_269 : vector<16xf32>
      %mul3A_292 = arith.mulf %get3A_273, %get3A_273 : vector<16xf32>
      %add3A_293 = arith.addf %mul3A_291, %mul3A_292 : vector<16xf32>
      %add3A_294 = arith.addf %add3A_290, %add3A_293 : vector<16xf32>
      %add3A_295 = arith.addf %add3A_249, %add3A_294 : vector<16xf32>
      %get3A_296 = arith.index_cast %scan3A_204 : i32 to index
      %get3A_297 = arith.constant 64 : index
      %get3A_298 = tpu.vector_load %arg12[%get3A_296, %get3A_297] {strides = array<i32>} : memref<128x128xf32, #tpu.memory_space<vmem>>, vector<1x16xf32>,
      %get3A_299 = vector.shape_cast %get3A_298 : vector<1x16xf32> to vector<16xf32>
      %get3A_300 = arith.index_cast %scan3A_204 : i32 to index
      %get3A_301 = arith.constant 64 : index
      %get3A_302 = tpu.vector_load %arg13[%get3A_300, %get3A_301] {strides = array<i32>} : memref<128x128xf32, #tpu.memory_space<vmem>>, vector<1x16xf32>,
      %get3A_303 = vector.shape_cast %get3A_302 : vector<1x16xf32> to vector<16xf32>
      %get3A_304 = arith.index_cast %scan3A_204 : i32 to index
      %get3A_305 = arith.constant 64 : index
      %get3A_306 = tpu.vector_load %arg14[%get3A_304, %get3A_305] {strides = array<i32>} : memref<128x128xf32, #tpu.memory_space<vmem>>, vector<1x16xf32>,
      %get3A_307 = vector.shape_cast %get3A_306 : vector<1x16xf32> to vector<16xf32>
      %mul3A_308 = arith.mulf %get3A_299, %get3A_303 : vector<16xf32>
      %mul3A_309 = arith.mulf %mul3A_308, %get3A_307 : vector<16xf32>
      %add3A_310 = arith.addf %add3A_283, %mul3A_309 : vector<16xf32>
      %mul3A_311 = arith.mulf %get3A_299, %get3A_299 : vector<16xf32>
      %mul3A_312 = arith.mulf %get3A_303, %get3A_303 : vector<16xf32>
      %add3A_313 = arith.addf %mul3A_311, %mul3A_312 : vector<16xf32>
      %mul3A_314 = arith.mulf %get3A_307, %get3A_307 : vector<16xf32>
      %add3A_315 = arith.addf %add3A_313, %mul3A_314 : vector<16xf32>
      %get3A_316 = arith.index_cast %scan3A_204 : i32 to index
      %get3A_317 = arith.constant 80 : index
      %get3A_318 = tpu.vector_load %arg12[%get3A_316, %get3A_317] {strides = array<i32>} : memref<128x128xf32, #tpu.memory_space<vmem>>, vector<1x16xf32>,
      %get3A_319 = vector.shape_cast %get3A_318 : vector<1x16xf32> to vector<16xf32>
      %get3A_320 = arith.index_cast %scan3A_204 : i32 to index
      %get3A_321 = arith.constant 80 : index
      %get3A_322 = tpu.vector_load %arg13[%get3A_320, %get3A_321] {strides = array<i32>} : memref<128x128xf32, #tpu.memory_space<vmem>>, vector<1x16xf32>,
      %get3A_323 = vector.shape_cast %get3A_322 : vector<1x16xf32> to vector<16xf32>
      %get3A_324 = arith.index_cast %scan3A_204 : i32 to index
      %get3A_325 = arith.constant 80 : index
      %get3A_326 = tpu.vector_load %arg14[%get3A_324, %get3A_325] {strides = array<i32>} : memref<128x128xf32, #tpu.memory_space<vmem>>, vector<1x16xf32>,
      %get3A_327 = vector.shape_cast %get3A_326 : vector<1x16xf32> to vector<16xf32>
      %mul3A_328 = arith.mulf %get3A_319, %get3A_323 : vector<16xf32>
      %mul3A_329 = arith.mulf %mul3A_328, %get3A_327 : vector<16xf32>
      %add3A_330 = arith.addf %add3A_310, %mul3A_329 : vector<16xf32>
      %mul3A_331 = arith.mulf %get3A_319, %get3A_319 : vector<16xf32>
      %mul3A_332 = arith.mulf %get3A_323, %get3A_323 : vector<16xf32>
      %add3A_333 = arith.addf %mul3A_331, %mul3A_332 : vector<16xf32>
      %mul3A_334 = arith.mulf %get3A_327, %get3A_327 : vector<16xf32>
      %add3A_335 = arith.addf %add3A_333, %mul3A_334 : vector<16xf32>
      %add3A_336 = arith.addf %add3A_315, %add3A_335 : vector<16xf32>
      %get3A_337 = arith.index_cast %scan3A_204 : i32 to index
      %get3A_338 = arith.constant 96 : index
      %get3A_339 = tpu.vector_load %arg12[%get3A_337, %get3A_338] {strides = array<i32>} : memref<128x128xf32, #tpu.memory_space<vmem>>, vector<1x16xf32>,
      %get3A_340 = vector.shape_cast %get3A_339 : vector<1x16xf32> to vector<16xf32>
      %get3A_341 = arith.index_cast %scan3A_204 : i32 to index
      %get3A_342 = arith.constant 96 : index
      %get3A_343 = tpu.vector_load %arg13[%get3A_341, %get3A_342] {strides = array<i32>} : memref<128x128xf32, #tpu.memory_space<vmem>>, vector<1x16xf32>,
      %get3A_344 = vector.shape_cast %get3A_343 : vector<1x16xf32> to vector<16xf32>
      %get3A_345 = arith.index_cast %scan3A_204 : i32 to index
      %get3A_346 = arith.constant 96 : index
      %get3A_347 = tpu.vector_load %arg14[%get3A_345, %get3A_346] {strides = array<i32>} : memref<128x128xf32, #tpu.memory_space<vmem>>, vector<1x16xf32>,
      %get3A_348 = vector.shape_cast %get3A_347 : vector<1x16xf32> to vector<16xf32>
      %mul3A_349 = arith.mulf %get3A_340, %get3A_344 : vector<16xf32>
      %mul3A_350 = arith.mulf %mul3A_349, %get3A_348 : vector<16xf32>
      %add3A_351 = arith.addf %add3A_330, %mul3A_350 : vector<16xf32>
      %mul3A_352 = arith.mulf %get3A_340, %get3A_340 : vector<16xf32>
      %mul3A_353 = arith.mulf %get3A_344, %get3A_344 : vector<16xf32>
      %add3A_354 = arith.addf %mul3A_352, %mul3A_353 : vector<16xf32>
      %mul3A_355 = arith.mulf %get3A_348, %get3A_348 : vector<16xf32>
      %add3A_356 = arith.addf %add3A_354, %mul3A_355 : vector<16xf32>
      %add3A_357 = arith.addf %add3A_336, %add3A_356 : vector<16xf32>
      %get3A_358 = arith.index_cast %scan3A_204 : i32 to index
      %get3A_359 = arith.constant 112 : index
      %get3A_360 = tpu.vector_load %arg12[%get3A_358, %get3A_359] {strides = array<i32>} : memref<128x128xf32, #tpu.memory_space<vmem>>, vector<1x16xf32>,
      %get3A_361 = vector.shape_cast %get3A_360 : vector<1x16xf32> to vector<16xf32>
      %get3A_362 = arith.index_cast %scan3A_204 : i32 to index
      %get3A_363 = arith.constant 112 : index
      %get3A_364 = tpu.vector_load %arg13[%get3A_362, %get3A_363] {strides = array<i32>} : memref<128x128xf32, #tpu.memory_space<vmem>>, vector<1x16xf32>,
      %get3A_365 = vector.shape_cast %get3A_364 : vector<1x16xf32> to vector<16xf32>
      %get3A_366 = arith.index_cast %scan3A_204 : i32 to index
      %get3A_367 = arith.constant 112 : index
      %get3A_368 = tpu.vector_load %arg14[%get3A_366, %get3A_367] {strides = array<i32>} : memref<128x128xf32, #tpu.memory_space<vmem>>, vector<1x16xf32>,
      %get3A_369 = vector.shape_cast %get3A_368 : vector<1x16xf32> to vector<16xf32>
      %mul3A_370 = arith.mulf %get3A_361, %get3A_365 : vector<16xf32>
      %mul3A_371 = arith.mulf %mul3A_370, %get3A_369 : vector<16xf32>
      %add3A_372 = arith.addf %add3A_351, %mul3A_371 : vector<16xf32>
      %mul3A_373 = arith.mulf %get3A_361, %get3A_361 : vector<16xf32>
      %mul3A_374 = arith.mulf %get3A_365, %get3A_365 : vector<16xf32>
      %add3A_375 = arith.addf %mul3A_373, %mul3A_374 : vector<16xf32>
      %mul3A_376 = arith.mulf %get3A_369, %get3A_369 : vector<16xf32>
      %add3A_377 = arith.addf %add3A_375, %mul3A_376 : vector<16xf32>
      %add3A_378 = arith.addf %add3A_357, %add3A_377 : vector<16xf32>
      %add3A_379 = arith.addf %scan3A_206, %add3A_378 : vector<16xf32>
      %swap3A_380 = arith.index_cast %scan3A_204 : i32 to index
      %swap3A_381 = arith.constant 0 : index
      %swap3A_382 = tpu.vector_load %arg18[%swap3A_380, %swap3A_381] {strides = array<i32>} : memref<128x16xf32, #tpu.memory_space<vmem>>, vector<1x16xf32>,
      %swap3A_383 = vector.shape_cast %swap3A_382 : vector<1x16xf32> to vector<16xf32>
      %swap3A_384 = vector.shape_cast %add3A_372 : vector<16xf32> to vector<1x16xf32>
      tpu.vector_store %arg18[%swap3A_380, %swap3A_381], %swap3A_384 {strides = array<i32>} : memref<128x16xf32, #tpu.memory_space<vmem>>, vector<1x16xf32>,
      scf.yield %add3A_295, %add3A_379 : vector<16xf32>, vector<16xf32>
    }
    %scan3A_141 = arith.constant 128 : i32
    %dma_wait3A_142 = arith.constant 0 : i32
    %dma_wait3A_143 = tpu.memref_slice %arg7[%add3A_101, %dma_wait3A_142] : memref<16384x16xf32, #tpu.memory_space<hbm>> -> memref<128x16xf32, #tpu.memory_space<hbm>>
    %dma_wait3A_144 = arith.constant 0 : i32
    %dma_wait3A_145 = tpu.memref_slice %arg7[%add3A_101, %dma_wait3A_144] : memref<16384x16xf32, #tpu.memory_space<hbm>> -> memref<128x16xf32, #tpu.memory_space<hbm>>
    tpu.wait_dma2 semaphore(%arg23 : memref<!tpu.dma_semaphore, #tpu.memory_space<semaphore_mem>>) src(%arg19 : memref<128x16xf32, #tpu.memory_space<vmem>>) dst(%dma_wait3A_145 : memref<128x16xf32, #tpu.memory_space<hbm>>)
    %add3A_146 = arith.constant 256 : i32
    %add3A_147 = arith.addi %multiple_of3A, %add3A_146 : i32
    %dma_start3A_148 = arith.constant 0 : i32
    %dma_start3A_149 = tpu.memref_slice %arg7[%add3A_147, %dma_start3A_148] : memref<16384x16xf32, #tpu.memory_space<hbm>> -> memref<128x16xf32, #tpu.memory_space<hbm>>
    %dma_start3A_150 = arith.constant 0 : i32
    %dma_start3A_151 = tpu.memref_slice %arg7[%add3A_147, %dma_start3A_150] : memref<16384x16xf32, #tpu.memory_space<hbm>> -> memref<128x16xf32, #tpu.memory_space<hbm>>
    tpu.enqueue_dma source(%arg18 : memref<128x16xf32, #tpu.memory_space<vmem>>) target(%dma_start3A_151 : memref<128x16xf32, #tpu.memory_space<hbm>>) target_semaphore(%arg23 : memref<!tpu.dma_semaphore, #tpu.memory_space<semaphore_mem>>)
    %dma_wait3A_152 = arith.constant 384 : i32
    %dma_wait3A_153 = tpu.memref_slice %arg9[%dma_wait3A_152] : memref<512xi32, #tpu.memory_space<vmem>> -> memref<128xi32, #tpu.memory_space<vmem>>
    %dma_wait3A_154 = arith.constant 0 : i32
    %dma_wait3A_155 = arith.constant 0 : i32
    %dma_wait3A_156 = tpu.memref_slice %arg2[%dma_wait3A_154, %dma_wait3A_155] : memref<100000x128xf32, #tpu.memory_space<hbm>> -> memref<100000x128xf32, #tpu.memory_space<hbm>>
    tpu.wait_indirect_dma semaphore(%arg22 : memref<!tpu.dma_semaphore, #tpu.memory_space<semaphore_mem>>) src(%dma_wait3A_156 : memref<100000x128xf32, #tpu.memory_space<hbm>>) dst(%arg15 : memref<128x128xf32, #tpu.memory_space<vmem>>)
    %dma_wait3A_157 = arith.constant 384 : i32
    %dma_wait3A_158 = tpu.memref_slice %arg10[%dma_wait3A_157] : memref<512xi32, #tpu.memory_space<vmem>> -> memref<128xi32, #tpu.memory_space<vmem>>
    %dma_wait3A_159 = arith.constant 0 : i32
    %dma_wait3A_160 = arith.constant 0 : i32
    %dma_wait3A_161 = tpu.memref_slice %arg2[%dma_wait3A_159, %dma_wait3A_160] : memref<100000x128xf32, #tpu.memory_space<hbm>> -> memref<100000x128xf32, #tpu.memory_space<hbm>>
    tpu.wait_indirect_dma semaphore(%arg22 : memref<!tpu.dma_semaphore, #tpu.memory_space<semaphore_mem>>) src(%dma_wait3A_161 : memref<100000x128xf32, #tpu.memory_space<hbm>>) dst(%arg16 : memref<128x128xf32, #tpu.memory_space<vmem>>)
    %dma_wait3A_162 = arith.constant 384 : i32
    %dma_wait3A_163 = tpu.memref_slice %arg11[%dma_wait3A_162] : memref<512xi32, #tpu.memory_space<vmem>> -> memref<128xi32, #tpu.memory_space<vmem>>
    %dma_wait3A_164 = arith.constant 0 : i32
    %dma_wait3A_165 = arith.constant 0 : i32
    %dma_wait3A_166 = tpu.memref_slice %arg3[%dma_wait3A_164, %dma_wait3A_165] : memref<1000x128xf32, #tpu.memory_space<hbm>> -> memref<1000x128xf32, #tpu.memory_space<hbm>>
    tpu.wait_indirect_dma semaphore(%arg22 : memref<!tpu.dma_semaphore, #tpu.memory_space<semaphore_mem>>) src(%dma_wait3A_166 : memref<1000x128xf32, #tpu.memory_space<hbm>>) dst(%arg17 : memref<128x128xf32, #tpu.memory_space<vmem>>)
    %scan3A_167 = arith.constant 0 : i32
    %scan3A_168 = arith.constant 128 : i32
    %scan3A_169 = arith.addi %scan3A_167, %scan3A_168 : i32
    %scan3A_170 = arith.constant 1 : i32
    %scan3A_171:2 = scf.for %scan3A_204 = %scan3A_167 to %scan3A_169 step %scan3A_170 iter_args(%scan3A_205 = %scan3A_140#0, %scan3A_206 = %scan3A_140#1) -> (vector<16xf32>, vector<16xf32>)  : i32 {
      %get3A = arith.index_cast %scan3A_204 : i32 to index
      %get3A_207 = arith.constant 0 : index
      %get3A_208 = tpu.vector_load %arg15[%get3A, %get3A_207] {strides = array<i32>} : memref<128x128xf32, #tpu.memory_space<vmem>>, vector<1x16xf32>,
      %get3A_209 = vector.shape_cast %get3A_208 : vector<1x16xf32> to vector<16xf32>
      %get3A_210 = arith.index_cast %scan3A_204 : i32 to index
      %get3A_211 = arith.constant 32 : index
      %get3A_212 = tpu.vector_load %arg15[%get3A_210, %get3A_211] {strides = array<i32>} : memref<128x128xf32, #tpu.memory_space<vmem>>, vector<1x16xf32>,
      %get3A_213 = vector.shape_cast %get3A_212 : vector<1x16xf32> to vector<16xf32>
      %get3A_214 = arith.index_cast %scan3A_204 : i32 to index
      %get3A_215 = arith.constant 0 : index
      %get3A_216 = tpu.vector_load %arg16[%get3A_214, %get3A_215] {strides = array<i32>} : memref<128x128xf32, #tpu.memory_space<vmem>>, vector<1x16xf32>,
      %get3A_217 = vector.shape_cast %get3A_216 : vector<1x16xf32> to vector<16xf32>
      %get3A_218 = arith.index_cast %scan3A_204 : i32 to index
      %get3A_219 = arith.constant 32 : index
      %get3A_220 = tpu.vector_load %arg16[%get3A_218, %get3A_219] {strides = array<i32>} : memref<128x128xf32, #tpu.memory_space<vmem>>, vector<1x16xf32>,
      %get3A_221 = vector.shape_cast %get3A_220 : vector<1x16xf32> to vector<16xf32>
      %get3A_222 = arith.index_cast %scan3A_204 : i32 to index
      %get3A_223 = arith.constant 0 : index
      %get3A_224 = tpu.vector_load %arg17[%get3A_222, %get3A_223] {strides = array<i32>} : memref<128x128xf32, #tpu.memory_space<vmem>>, vector<1x16xf32>,
      %get3A_225 = vector.shape_cast %get3A_224 : vector<1x16xf32> to vector<16xf32>
      %get3A_226 = arith.index_cast %scan3A_204 : i32 to index
      %get3A_227 = arith.constant 32 : index
      %get3A_228 = tpu.vector_load %arg17[%get3A_226, %get3A_227] {strides = array<i32>} : memref<128x128xf32, #tpu.memory_space<vmem>>, vector<1x16xf32>,
      %get3A_229 = vector.shape_cast %get3A_228 : vector<1x16xf32> to vector<16xf32>
      %mul3A_230 = arith.mulf %get3A_209, %get3A_217 : vector<16xf32>
      %mul3A_231 = arith.mulf %get3A_213, %get3A_221 : vector<16xf32>
      %add3A_232 = arith.addf %mul3A_230, %mul3A_231 : vector<16xf32>
      %mul3A_233 = arith.mulf %add3A_232, %get3A_225 : vector<16xf32>
      %mul3A_234 = arith.mulf %get3A_209, %get3A_221 : vector<16xf32>
      %mul3A_235 = arith.mulf %get3A_213, %get3A_217 : vector<16xf32>
      %sub3A = arith.subf %mul3A_234, %mul3A_235 : vector<16xf32>
      %mul3A_236 = arith.mulf %sub3A, %get3A_229 : vector<16xf32>
      %add3A_237 = arith.addf %mul3A_233, %mul3A_236 : vector<16xf32>
      %mul3A_238 = arith.mulf %get3A_209, %get3A_209 : vector<16xf32>
      %mul3A_239 = arith.mulf %get3A_213, %get3A_213 : vector<16xf32>
      %add3A_240 = arith.addf %mul3A_238, %mul3A_239 : vector<16xf32>
      %mul3A_241 = arith.mulf %get3A_217, %get3A_217 : vector<16xf32>
      %mul3A_242 = arith.mulf %get3A_221, %get3A_221 : vector<16xf32>
      %add3A_243 = arith.addf %mul3A_241, %mul3A_242 : vector<16xf32>
      %add3A_244 = arith.addf %add3A_240, %add3A_243 : vector<16xf32>
      %mul3A_245 = arith.mulf %get3A_225, %get3A_225 : vector<16xf32>
      %mul3A_246 = arith.mulf %get3A_229, %get3A_229 : vector<16xf32>
      %add3A_247 = arith.addf %mul3A_245, %mul3A_246 : vector<16xf32>
      %add3A_248 = arith.addf %add3A_244, %add3A_247 : vector<16xf32>
      %add3A_249 = arith.addf %scan3A_205, %add3A_248 : vector<16xf32>
      %get3A_250 = arith.index_cast %scan3A_204 : i32 to index
      %get3A_251 = arith.constant 16 : index
      %get3A_252 = tpu.vector_load %arg15[%get3A_250, %get3A_251] {strides = array<i32>} : memref<128x128xf32, #tpu.memory_space<vmem>>, vector<1x16xf32>,
      %get3A_253 = vector.shape_cast %get3A_252 : vector<1x16xf32> to vector<16xf32>
      %get3A_254 = arith.index_cast %scan3A_204 : i32 to index
      %get3A_255 = arith.constant 48 : index
      %get3A_256 = tpu.vector_load %arg15[%get3A_254, %get3A_255] {strides = array<i32>} : memref<128x128xf32, #tpu.memory_space<vmem>>, vector<1x16xf32>,
      %get3A_257 = vector.shape_cast %get3A_256 : vector<1x16xf32> to vector<16xf32>
      %get3A_258 = arith.index_cast %scan3A_204 : i32 to index
      %get3A_259 = arith.constant 16 : index
      %get3A_260 = tpu.vector_load %arg16[%get3A_258, %get3A_259] {strides = array<i32>} : memref<128x128xf32, #tpu.memory_space<vmem>>, vector<1x16xf32>,
      %get3A_261 = vector.shape_cast %get3A_260 : vector<1x16xf32> to vector<16xf32>
      %get3A_262 = arith.index_cast %scan3A_204 : i32 to index
      %get3A_263 = arith.constant 48 : index
      %get3A_264 = tpu.vector_load %arg16[%get3A_262, %get3A_263] {strides = array<i32>} : memref<128x128xf32, #tpu.memory_space<vmem>>, vector<1x16xf32>,
      %get3A_265 = vector.shape_cast %get3A_264 : vector<1x16xf32> to vector<16xf32>
      %get3A_266 = arith.index_cast %scan3A_204 : i32 to index
      %get3A_267 = arith.constant 16 : index
      %get3A_268 = tpu.vector_load %arg17[%get3A_266, %get3A_267] {strides = array<i32>} : memref<128x128xf32, #tpu.memory_space<vmem>>, vector<1x16xf32>,
      %get3A_269 = vector.shape_cast %get3A_268 : vector<1x16xf32> to vector<16xf32>
      %get3A_270 = arith.index_cast %scan3A_204 : i32 to index
      %get3A_271 = arith.constant 48 : index
      %get3A_272 = tpu.vector_load %arg17[%get3A_270, %get3A_271] {strides = array<i32>} : memref<128x128xf32, #tpu.memory_space<vmem>>, vector<1x16xf32>,
      %get3A_273 = vector.shape_cast %get3A_272 : vector<1x16xf32> to vector<16xf32>
      %mul3A_274 = arith.mulf %get3A_253, %get3A_261 : vector<16xf32>
      %mul3A_275 = arith.mulf %get3A_257, %get3A_265 : vector<16xf32>
      %add3A_276 = arith.addf %mul3A_274, %mul3A_275 : vector<16xf32>
      %mul3A_277 = arith.mulf %add3A_276, %get3A_269 : vector<16xf32>
      %mul3A_278 = arith.mulf %get3A_253, %get3A_265 : vector<16xf32>
      %mul3A_279 = arith.mulf %get3A_257, %get3A_261 : vector<16xf32>
      %sub3A_280 = arith.subf %mul3A_278, %mul3A_279 : vector<16xf32>
      %mul3A_281 = arith.mulf %sub3A_280, %get3A_273 : vector<16xf32>
      %add3A_282 = arith.addf %mul3A_277, %mul3A_281 : vector<16xf32>
      %add3A_283 = arith.addf %add3A_237, %add3A_282 : vector<16xf32>
      %mul3A_284 = arith.mulf %get3A_253, %get3A_253 : vector<16xf32>
      %mul3A_285 = arith.mulf %get3A_257, %get3A_257 : vector<16xf32>
      %add3A_286 = arith.addf %mul3A_284, %mul3A_285 : vector<16xf32>
      %mul3A_287 = arith.mulf %get3A_261, %get3A_261 : vector<16xf32>
      %mul3A_288 = arith.mulf %get3A_265, %get3A_265 : vector<16xf32>
      %add3A_289 = arith.addf %mul3A_287, %mul3A_288 : vector<16xf32>
      %add3A_290 = arith.addf %add3A_286, %add3A_289 : vector<16xf32>
      %mul3A_291 = arith.mulf %get3A_269, %get3A_269 : vector<16xf32>
      %mul3A_292 = arith.mulf %get3A_273, %get3A_273 : vector<16xf32>
      %add3A_293 = arith.addf %mul3A_291, %mul3A_292 : vector<16xf32>
      %add3A_294 = arith.addf %add3A_290, %add3A_293 : vector<16xf32>
      %add3A_295 = arith.addf %add3A_249, %add3A_294 : vector<16xf32>
      %get3A_296 = arith.index_cast %scan3A_204 : i32 to index
      %get3A_297 = arith.constant 64 : index
      %get3A_298 = tpu.vector_load %arg15[%get3A_296, %get3A_297] {strides = array<i32>} : memref<128x128xf32, #tpu.memory_space<vmem>>, vector<1x16xf32>,
      %get3A_299 = vector.shape_cast %get3A_298 : vector<1x16xf32> to vector<16xf32>
      %get3A_300 = arith.index_cast %scan3A_204 : i32 to index
      %get3A_301 = arith.constant 64 : index
      %get3A_302 = tpu.vector_load %arg16[%get3A_300, %get3A_301] {strides = array<i32>} : memref<128x128xf32, #tpu.memory_space<vmem>>, vector<1x16xf32>,
      %get3A_303 = vector.shape_cast %get3A_302 : vector<1x16xf32> to vector<16xf32>
      %get3A_304 = arith.index_cast %scan3A_204 : i32 to index
      %get3A_305 = arith.constant 64 : index
      %get3A_306 = tpu.vector_load %arg17[%get3A_304, %get3A_305] {strides = array<i32>} : memref<128x128xf32, #tpu.memory_space<vmem>>, vector<1x16xf32>,
      %get3A_307 = vector.shape_cast %get3A_306 : vector<1x16xf32> to vector<16xf32>
      %mul3A_308 = arith.mulf %get3A_299, %get3A_303 : vector<16xf32>
      %mul3A_309 = arith.mulf %mul3A_308, %get3A_307 : vector<16xf32>
      %add3A_310 = arith.addf %add3A_283, %mul3A_309 : vector<16xf32>
      %mul3A_311 = arith.mulf %get3A_299, %get3A_299 : vector<16xf32>
      %mul3A_312 = arith.mulf %get3A_303, %get3A_303 : vector<16xf32>
      %add3A_313 = arith.addf %mul3A_311, %mul3A_312 : vector<16xf32>
      %mul3A_314 = arith.mulf %get3A_307, %get3A_307 : vector<16xf32>
      %add3A_315 = arith.addf %add3A_313, %mul3A_314 : vector<16xf32>
      %get3A_316 = arith.index_cast %scan3A_204 : i32 to index
      %get3A_317 = arith.constant 80 : index
      %get3A_318 = tpu.vector_load %arg15[%get3A_316, %get3A_317] {strides = array<i32>} : memref<128x128xf32, #tpu.memory_space<vmem>>, vector<1x16xf32>,
      %get3A_319 = vector.shape_cast %get3A_318 : vector<1x16xf32> to vector<16xf32>
      %get3A_320 = arith.index_cast %scan3A_204 : i32 to index
      %get3A_321 = arith.constant 80 : index
      %get3A_322 = tpu.vector_load %arg16[%get3A_320, %get3A_321] {strides = array<i32>} : memref<128x128xf32, #tpu.memory_space<vmem>>, vector<1x16xf32>,
      %get3A_323 = vector.shape_cast %get3A_322 : vector<1x16xf32> to vector<16xf32>
      %get3A_324 = arith.index_cast %scan3A_204 : i32 to index
      %get3A_325 = arith.constant 80 : index
      %get3A_326 = tpu.vector_load %arg17[%get3A_324, %get3A_325] {strides = array<i32>} : memref<128x128xf32, #tpu.memory_space<vmem>>, vector<1x16xf32>,
      %get3A_327 = vector.shape_cast %get3A_326 : vector<1x16xf32> to vector<16xf32>
      %mul3A_328 = arith.mulf %get3A_319, %get3A_323 : vector<16xf32>
      %mul3A_329 = arith.mulf %mul3A_328, %get3A_327 : vector<16xf32>
      %add3A_330 = arith.addf %add3A_310, %mul3A_329 : vector<16xf32>
      %mul3A_331 = arith.mulf %get3A_319, %get3A_319 : vector<16xf32>
      %mul3A_332 = arith.mulf %get3A_323, %get3A_323 : vector<16xf32>
      %add3A_333 = arith.addf %mul3A_331, %mul3A_332 : vector<16xf32>
      %mul3A_334 = arith.mulf %get3A_327, %get3A_327 : vector<16xf32>
      %add3A_335 = arith.addf %add3A_333, %mul3A_334 : vector<16xf32>
      %add3A_336 = arith.addf %add3A_315, %add3A_335 : vector<16xf32>
      %get3A_337 = arith.index_cast %scan3A_204 : i32 to index
      %get3A_338 = arith.constant 96 : index
      %get3A_339 = tpu.vector_load %arg15[%get3A_337, %get3A_338] {strides = array<i32>} : memref<128x128xf32, #tpu.memory_space<vmem>>, vector<1x16xf32>,
      %get3A_340 = vector.shape_cast %get3A_339 : vector<1x16xf32> to vector<16xf32>
      %get3A_341 = arith.index_cast %scan3A_204 : i32 to index
      %get3A_342 = arith.constant 96 : index
      %get3A_343 = tpu.vector_load %arg16[%get3A_341, %get3A_342] {strides = array<i32>} : memref<128x128xf32, #tpu.memory_space<vmem>>, vector<1x16xf32>,
      %get3A_344 = vector.shape_cast %get3A_343 : vector<1x16xf32> to vector<16xf32>
      %get3A_345 = arith.index_cast %scan3A_204 : i32 to index
      %get3A_346 = arith.constant 96 : index
      %get3A_347 = tpu.vector_load %arg17[%get3A_345, %get3A_346] {strides = array<i32>} : memref<128x128xf32, #tpu.memory_space<vmem>>, vector<1x16xf32>,
      %get3A_348 = vector.shape_cast %get3A_347 : vector<1x16xf32> to vector<16xf32>
      %mul3A_349 = arith.mulf %get3A_340, %get3A_344 : vector<16xf32>
      %mul3A_350 = arith.mulf %mul3A_349, %get3A_348 : vector<16xf32>
      %add3A_351 = arith.addf %add3A_330, %mul3A_350 : vector<16xf32>
      %mul3A_352 = arith.mulf %get3A_340, %get3A_340 : vector<16xf32>
      %mul3A_353 = arith.mulf %get3A_344, %get3A_344 : vector<16xf32>
      %add3A_354 = arith.addf %mul3A_352, %mul3A_353 : vector<16xf32>
      %mul3A_355 = arith.mulf %get3A_348, %get3A_348 : vector<16xf32>
      %add3A_356 = arith.addf %add3A_354, %mul3A_355 : vector<16xf32>
      %add3A_357 = arith.addf %add3A_336, %add3A_356 : vector<16xf32>
      %get3A_358 = arith.index_cast %scan3A_204 : i32 to index
      %get3A_359 = arith.constant 112 : index
      %get3A_360 = tpu.vector_load %arg15[%get3A_358, %get3A_359] {strides = array<i32>} : memref<128x128xf32, #tpu.memory_space<vmem>>, vector<1x16xf32>,
      %get3A_361 = vector.shape_cast %get3A_360 : vector<1x16xf32> to vector<16xf32>
      %get3A_362 = arith.index_cast %scan3A_204 : i32 to index
      %get3A_363 = arith.constant 112 : index
      %get3A_364 = tpu.vector_load %arg16[%get3A_362, %get3A_363] {strides = array<i32>} : memref<128x128xf32, #tpu.memory_space<vmem>>, vector<1x16xf32>,
      %get3A_365 = vector.shape_cast %get3A_364 : vector<1x16xf32> to vector<16xf32>
      %get3A_366 = arith.index_cast %scan3A_204 : i32 to index
      %get3A_367 = arith.constant 112 : index
      %get3A_368 = tpu.vector_load %arg17[%get3A_366, %get3A_367] {strides = array<i32>} : memref<128x128xf32, #tpu.memory_space<vmem>>, vector<1x16xf32>,
      %get3A_369 = vector.shape_cast %get3A_368 : vector<1x16xf32> to vector<16xf32>
      %mul3A_370 = arith.mulf %get3A_361, %get3A_365 : vector<16xf32>
      %mul3A_371 = arith.mulf %mul3A_370, %get3A_369 : vector<16xf32>
      %add3A_372 = arith.addf %add3A_351, %mul3A_371 : vector<16xf32>
      %mul3A_373 = arith.mulf %get3A_361, %get3A_361 : vector<16xf32>
      %mul3A_374 = arith.mulf %get3A_365, %get3A_365 : vector<16xf32>
      %add3A_375 = arith.addf %mul3A_373, %mul3A_374 : vector<16xf32>
      %mul3A_376 = arith.mulf %get3A_369, %get3A_369 : vector<16xf32>
      %add3A_377 = arith.addf %add3A_375, %mul3A_376 : vector<16xf32>
      %add3A_378 = arith.addf %add3A_357, %add3A_377 : vector<16xf32>
      %add3A_379 = arith.addf %scan3A_206, %add3A_378 : vector<16xf32>
      %swap3A_380 = arith.index_cast %scan3A_204 : i32 to index
      %swap3A_381 = arith.constant 0 : index
      %swap3A_382 = tpu.vector_load %arg19[%swap3A_380, %swap3A_381] {strides = array<i32>} : memref<128x16xf32, #tpu.memory_space<vmem>>, vector<1x16xf32>,
      %swap3A_383 = vector.shape_cast %swap3A_382 : vector<1x16xf32> to vector<16xf32>
      %swap3A_384 = vector.shape_cast %add3A_372 : vector<16xf32> to vector<1x16xf32>
      tpu.vector_store %arg19[%swap3A_380, %swap3A_381], %swap3A_384 {strides = array<i32>} : memref<128x16xf32, #tpu.memory_space<vmem>>, vector<1x16xf32>,
      scf.yield %add3A_295, %add3A_379 : vector<16xf32>, vector<16xf32>
    }
    %scan3A_172 = arith.constant 128 : i32
    %dma_wait3A_173 = arith.constant 0 : i32
    %dma_wait3A_174 = tpu.memref_slice %arg7[%add3A_147, %dma_wait3A_173] : memref<16384x16xf32, #tpu.memory_space<hbm>> -> memref<128x16xf32, #tpu.memory_space<hbm>>
    %dma_wait3A_175 = arith.constant 0 : i32
    %dma_wait3A_176 = tpu.memref_slice %arg7[%add3A_147, %dma_wait3A_175] : memref<16384x16xf32, #tpu.memory_space<hbm>> -> memref<128x16xf32, #tpu.memory_space<hbm>>
    tpu.wait_dma2 semaphore(%arg23 : memref<!tpu.dma_semaphore, #tpu.memory_space<semaphore_mem>>) src(%arg18 : memref<128x16xf32, #tpu.memory_space<vmem>>) dst(%dma_wait3A_176 : memref<128x16xf32, #tpu.memory_space<hbm>>)
    %add3A_177 = arith.constant 384 : i32
    %add3A_178 = arith.addi %multiple_of3A, %add3A_177 : i32
    %dma_start3A_179 = arith.constant 0 : i32
    %dma_start3A_180 = tpu.memref_slice %arg7[%add3A_178, %dma_start3A_179] : memref<16384x16xf32, #tpu.memory_space<hbm>> -> memref<128x16xf32, #tpu.memory_space<hbm>>
    %dma_start3A_181 = arith.constant 0 : i32
    %dma_start3A_182 = tpu.memref_slice %arg7[%add3A_178, %dma_start3A_181] : memref<16384x16xf32, #tpu.memory_space<hbm>> -> memref<128x16xf32, #tpu.memory_space<hbm>>
    tpu.enqueue_dma source(%arg19 : memref<128x16xf32, #tpu.memory_space<vmem>>) target(%dma_start3A_182 : memref<128x16xf32, #tpu.memory_space<hbm>>) target_semaphore(%arg23 : memref<!tpu.dma_semaphore, #tpu.memory_space<semaphore_mem>>)
    %dma_wait3A_183 = arith.constant 0 : i32
    %dma_wait3A_184 = tpu.memref_slice %arg7[%add3A_178, %dma_wait3A_183] : memref<16384x16xf32, #tpu.memory_space<hbm>> -> memref<128x16xf32, #tpu.memory_space<hbm>>
    %dma_wait3A_185 = arith.constant 0 : i32
    %dma_wait3A_186 = tpu.memref_slice %arg7[%add3A_178, %dma_wait3A_185] : memref<16384x16xf32, #tpu.memory_space<hbm>> -> memref<128x16xf32, #tpu.memory_space<hbm>>
    tpu.wait_dma2 semaphore(%arg23 : memref<!tpu.dma_semaphore, #tpu.memory_space<semaphore_mem>>) src(%arg19 : memref<128x16xf32, #tpu.memory_space<vmem>>) dst(%dma_wait3A_186 : memref<128x16xf32, #tpu.memory_space<hbm>>)
    %swap3A = arith.constant 0 : i32
    %swap3A_187 = arith.index_cast %swap3A : i32 to index
    %swap3A_188 = arith.constant 0 : index
    %swap3A_189 = tpu.vector_load %arg20[%swap3A_187, %swap3A_188] {strides = array<i32>} : memref<2x16xf32, #tpu.memory_space<vmem>>, vector<1x16xf32>,
    %swap3A_190 = vector.shape_cast %swap3A_189 : vector<1x16xf32> to vector<16xf32>
    %swap3A_191 = vector.shape_cast %scan3A_171#0 : vector<16xf32> to vector<1x16xf32>
    tpu.vector_store %arg20[%swap3A_187, %swap3A_188], %swap3A_191 {strides = array<i32>} : memref<2x16xf32, #tpu.memory_space<vmem>>, vector<1x16xf32>,
    %swap3A_192 = arith.constant 1 : i32
    %swap3A_193 = arith.index_cast %swap3A_192 : i32 to index
    %swap3A_194 = arith.constant 0 : index
    %swap3A_195 = tpu.vector_load %arg20[%swap3A_193, %swap3A_194] {strides = array<i32>} : memref<2x16xf32, #tpu.memory_space<vmem>>, vector<1x16xf32>,
    %swap3A_196 = vector.shape_cast %swap3A_195 : vector<1x16xf32> to vector<16xf32>
    %swap3A_197 = vector.shape_cast %scan3A_171#1 : vector<16xf32> to vector<1x16xf32>
    tpu.vector_store %arg20[%swap3A_193, %swap3A_194], %swap3A_197 {strides = array<i32>} : memref<2x16xf32, #tpu.memory_space<vmem>>, vector<1x16xf32>,
    %mul3A_198 = arith.constant 16 : i32
    %mul3A_199 = arith.muli %add3A, %mul3A_198 : i32
    %multiple_of3A_200 = tpu.assume_multiple %mul3A_199, 16 : i32
    %run_scoped3A = arith.constant 0 : i32
    %run_scoped3A_201 = arith.constant 0 : i32
    "tpu.region"() ({
      %run_scoped3A_204 = tpu.sem_alloc : memref<!tpu.dma_semaphore, #tpu.memory_space<semaphore_mem>>
      %dma_start3A_205 = arith.constant 0 : i32
      %dma_start3A_206 = tpu.memref_slice %arg20[%run_scoped3A, %dma_start3A_205] : memref<2x16xf32, #tpu.memory_space<vmem>> -> memref<1x16xf32, #tpu.memory_space<vmem>>
      %dma_start3A_207 = tpu.memref_squeeze %dma_start3A_206 : memref<1x16xf32, #tpu.memory_space<vmem>> -> memref<16xf32, #tpu.memory_space<vmem>>
      %dma_start3A_208 = tpu.memref_slice %arg8[%run_scoped3A_201, %multiple_of3A_200] : memref<2x512xf32, #tpu.memory_space<hbm>> -> memref<1x16xf32, #tpu.memory_space<hbm>>
      %dma_start3A_209 = tpu.memref_squeeze %dma_start3A_208 : memref<1x16xf32, #tpu.memory_space<hbm>> -> memref<16xf32, #tpu.memory_space<hbm>>
      %dma_start3A_210 = tpu.memref_slice %arg8[%run_scoped3A_201, %multiple_of3A_200] : memref<2x512xf32, #tpu.memory_space<hbm>> -> memref<1x16xf32, #tpu.memory_space<hbm>>
      %dma_start3A_211 = tpu.memref_squeeze %dma_start3A_210 : memref<1x16xf32, #tpu.memory_space<hbm>> -> memref<16xf32, #tpu.memory_space<hbm>>
      %dma_start3A_212 = arith.constant 0 : i32
      %dma_start3A_213 = tpu.memref_slice %arg20[%run_scoped3A, %dma_start3A_212] : memref<2x16xf32, #tpu.memory_space<vmem>> -> memref<1x16xf32, #tpu.memory_space<vmem>>
      %dma_start3A_214 = tpu.memref_squeeze %dma_start3A_213 : memref<1x16xf32, #tpu.memory_space<vmem>> -> memref<16xf32, #tpu.memory_space<vmem>>
      tpu.enqueue_dma source(%dma_start3A_214 : memref<16xf32, #tpu.memory_space<vmem>>) target(%dma_start3A_211 : memref<16xf32, #tpu.memory_space<hbm>>) target_semaphore(%run_scoped3A_204 : memref<!tpu.dma_semaphore, #tpu.memory_space<semaphore_mem>>)
      %dma_wait3A_215 = arith.constant 0 : i32
      %dma_wait3A_216 = tpu.memref_slice %arg20[%run_scoped3A, %dma_wait3A_215] : memref<2x16xf32, #tpu.memory_space<vmem>> -> memref<1x16xf32, #tpu.memory_space<vmem>>
      %dma_wait3A_217 = tpu.memref_squeeze %dma_wait3A_216 : memref<1x16xf32, #tpu.memory_space<vmem>> -> memref<16xf32, #tpu.memory_space<vmem>>
      %dma_wait3A_218 = tpu.memref_slice %arg8[%run_scoped3A_201, %multiple_of3A_200] : memref<2x512xf32, #tpu.memory_space<hbm>> -> memref<1x16xf32, #tpu.memory_space<hbm>>
      %dma_wait3A_219 = tpu.memref_squeeze %dma_wait3A_218 : memref<1x16xf32, #tpu.memory_space<hbm>> -> memref<16xf32, #tpu.memory_space<hbm>>
      %dma_wait3A_220 = tpu.memref_slice %arg8[%run_scoped3A_201, %multiple_of3A_200] : memref<2x512xf32, #tpu.memory_space<hbm>> -> memref<1x16xf32, #tpu.memory_space<hbm>>
      %dma_wait3A_221 = tpu.memref_squeeze %dma_wait3A_220 : memref<1x16xf32, #tpu.memory_space<hbm>> -> memref<16xf32, #tpu.memory_space<hbm>>
      %dma_wait3A_222 = arith.constant 0 : i32
      %dma_wait3A_223 = tpu.memref_slice %arg20[%run_scoped3A, %dma_wait3A_222] : memref<2x16xf32, #tpu.memory_space<vmem>> -> memref<1x16xf32, #tpu.memory_space<vmem>>
      %dma_wait3A_224 = tpu.memref_squeeze %dma_wait3A_223 : memref<1x16xf32, #tpu.memory_space<vmem>> -> memref<16xf32, #tpu.memory_space<vmem>>
      tpu.wait_dma2 semaphore(%run_scoped3A_204 : memref<!tpu.dma_semaphore, #tpu.memory_space<semaphore_mem>>) src(%dma_wait3A_224 : memref<16xf32, #tpu.memory_space<vmem>>) dst(%dma_wait3A_221 : memref<16xf32, #tpu.memory_space<hbm>>)
      tpu.yield
    }) : () -> ()
    %run_scoped3A_202 = arith.constant 1 : i32
    %run_scoped3A_203 = arith.constant 1 : i32
    "tpu.region"() ({
      %run_scoped3A_204 = tpu.sem_alloc : memref<!tpu.dma_semaphore, #tpu.memory_space<semaphore_mem>>
      %dma_start3A_205 = arith.constant 0 : i32
      %dma_start3A_206 = tpu.memref_slice %arg20[%run_scoped3A_202, %dma_start3A_205] : memref<2x16xf32, #tpu.memory_space<vmem>> -> memref<1x16xf32, #tpu.memory_space<vmem>>
      %dma_start3A_207 = tpu.memref_squeeze %dma_start3A_206 : memref<1x16xf32, #tpu.memory_space<vmem>> -> memref<16xf32, #tpu.memory_space<vmem>>
      %dma_start3A_208 = tpu.memref_slice %arg8[%run_scoped3A_203, %multiple_of3A_200] : memref<2x512xf32, #tpu.memory_space<hbm>> -> memref<1x16xf32, #tpu.memory_space<hbm>>
      %dma_start3A_209 = tpu.memref_squeeze %dma_start3A_208 : memref<1x16xf32, #tpu.memory_space<hbm>> -> memref<16xf32, #tpu.memory_space<hbm>>
      %dma_start3A_210 = tpu.memref_slice %arg8[%run_scoped3A_203, %multiple_of3A_200] : memref<2x512xf32, #tpu.memory_space<hbm>> -> memref<1x16xf32, #tpu.memory_space<hbm>>
      %dma_start3A_211 = tpu.memref_squeeze %dma_start3A_210 : memref<1x16xf32, #tpu.memory_space<hbm>> -> memref<16xf32, #tpu.memory_space<hbm>>
      %dma_start3A_212 = arith.constant 0 : i32
      %dma_start3A_213 = tpu.memref_slice %arg20[%run_scoped3A_202, %dma_start3A_212] : memref<2x16xf32, #tpu.memory_space<vmem>> -> memref<1x16xf32, #tpu.memory_space<vmem>>
      %dma_start3A_214 = tpu.memref_squeeze %dma_start3A_213 : memref<1x16xf32, #tpu.memory_space<vmem>> -> memref<16xf32, #tpu.memory_space<vmem>>
      tpu.enqueue_dma source(%dma_start3A_214 : memref<16xf32, #tpu.memory_space<vmem>>) target(%dma_start3A_211 : memref<16xf32, #tpu.memory_space<hbm>>) target_semaphore(%run_scoped3A_204 : memref<!tpu.dma_semaphore, #tpu.memory_space<semaphore_mem>>)
      %dma_wait3A_215 = arith.constant 0 : i32
      %dma_wait3A_216 = tpu.memref_slice %arg20[%run_scoped3A_202, %dma_wait3A_215] : memref<2x16xf32, #tpu.memory_space<vmem>> -> memref<1x16xf32, #tpu.memory_space<vmem>>
      %dma_wait3A_217 = tpu.memref_squeeze %dma_wait3A_216 : memref<1x16xf32, #tpu.memory_space<vmem>> -> memref<16xf32, #tpu.memory_space<vmem>>
      %dma_wait3A_218 = tpu.memref_slice %arg8[%run_scoped3A_203, %multiple_of3A_200] : memref<2x512xf32, #tpu.memory_space<hbm>> -> memref<1x16xf32, #tpu.memory_space<hbm>>
      %dma_wait3A_219 = tpu.memref_squeeze %dma_wait3A_218 : memref<1x16xf32, #tpu.memory_space<hbm>> -> memref<16xf32, #tpu.memory_space<hbm>>
      %dma_wait3A_220 = tpu.memref_slice %arg8[%run_scoped3A_203, %multiple_of3A_200] : memref<2x512xf32, #tpu.memory_space<hbm>> -> memref<1x16xf32, #tpu.memory_space<hbm>>
      %dma_wait3A_221 = tpu.memref_squeeze %dma_wait3A_220 : memref<1x16xf32, #tpu.memory_space<hbm>> -> memref<16xf32, #tpu.memory_space<hbm>>
      %dma_wait3A_222 = arith.constant 0 : i32
      %dma_wait3A_223 = tpu.memref_slice %arg20[%run_scoped3A_202, %dma_wait3A_222] : memref<2x16xf32, #tpu.memory_space<vmem>> -> memref<1x16xf32, #tpu.memory_space<vmem>>
      %dma_wait3A_224 = tpu.memref_squeeze %dma_wait3A_223 : memref<1x16xf32, #tpu.memory_space<vmem>> -> memref<16xf32, #tpu.memory_space<vmem>>
      tpu.wait_dma2 semaphore(%run_scoped3A_204 : memref<!tpu.dma_semaphore, #tpu.memory_space<semaphore_mem>>) src(%dma_wait3A_224 : memref<16xf32, #tpu.memory_space<vmem>>) dst(%dma_wait3A_221 : memref<16xf32, #tpu.memory_space<hbm>>)
      tpu.yield
    }) : () -> ()
    return
  }
}

module attributes {stable_mosaic.version = 14 : i64} {
  func.func @body(%arg0: memref<128x2048xf32, #tpu.memory_space<vmem>>, %arg1: memref<128x128xf32, #tpu.memory_space<vmem>>, %arg2: memref<2x512xf32, #tpu.memory_space<vmem>>, %arg3: memref<1x1xf32, #tpu.memory_space<smem>>) attributes {dimension_semantics = [], scalar_prefetch = 0 : i64, scratch_operands = 0 : i64, tpu.core_type = #tpu.core_type<tc>} {
    %get3A = arith.constant 0 : index
    %get3A_0 = arith.constant 0 : index
    %get3A_1 = vector.load %arg0[%get3A, %get3A_0] : memref<128x2048xf32, #tpu.memory_space<vmem>>, vector<128x2048xf32>
    %iota3A = tpu.iota {dimensions = array<i32: 0>} : vector<2048x128xi32>
    %iota3A_2 = tpu.iota {dimensions = array<i32: 1>} : vector<2048x128xi32>
    %jit3A = arith.constant 16 : i32
    %div3A = vector.broadcast %jit3A : i32 to vector<2048x128xi32>
    %div3A_3 = arith.divsi %iota3A, %div3A : vector<2048x128xi32>
    %sign3A = arith.constant 0 : i32
    %sign3A_4 = vector.broadcast %sign3A : i32 to vector<2048x128xi32>
    %sign3A_5 = arith.cmpi sgt, %iota3A, %sign3A_4 : vector<2048x128xi32>
    %sign3A_6 = arith.extui %sign3A_5 : vector<2048x128xi1> to vector<2048x128xi32>
    %sign3A_7 = arith.constant 0 : i32
    %sign3A_8 = vector.broadcast %sign3A_7 : i32 to vector<2048x128xi32>
    %sign3A_9 = arith.cmpi slt, %iota3A, %sign3A_8 : vector<2048x128xi32>
    %sign3A_10 = arith.extui %sign3A_9 : vector<2048x128xi1> to vector<2048x128xi32>
    %sign3A_11 = arith.subi %sign3A_6, %sign3A_10 : vector<2048x128xi32>
    %sign3A_12 = arith.constant 0 : i32
    %sign3A_13 = arith.cmpi sgt, %jit3A, %sign3A_12 : i32
    %sign3A_14 = arith.extui %sign3A_13 : i1 to i32
    %sign3A_15 = arith.constant 0 : i32
    %sign3A_16 = arith.cmpi slt, %jit3A, %sign3A_15 : i32
    %sign3A_17 = arith.extui %sign3A_16 : i1 to i32
    %sign3A_18 = arith.subi %sign3A_14, %sign3A_17 : i32
    %ne3A = vector.broadcast %sign3A_18 : i32 to vector<2048x128xi32>
    %ne3A_19 = arith.cmpi ne, %sign3A_11, %ne3A : vector<2048x128xi32>
    %rem3A = vector.broadcast %jit3A : i32 to vector<2048x128xi32>
    %rem3A_20 = arith.remsi %iota3A, %rem3A : vector<2048x128xi32>
    %ne3A_21 = arith.constant 0 : i32
    %ne3A_22 = vector.broadcast %ne3A_21 : i32 to vector<2048x128xi32>
    %ne3A_23 = arith.cmpi ne, %rem3A_20, %ne3A_22 : vector<2048x128xi32>
    %and3A = arith.andi %ne3A_19, %ne3A_23 : vector<2048x128xi1>
    %sub3A = arith.constant 1 : i32
    %sub3A_24 = vector.broadcast %sub3A : i32 to vector<2048x128xi32>
    %sub3A_25 = arith.subi %div3A_3, %sub3A_24 : vector<2048x128xi32>
    %select_n3A = arith.select %and3A, %sub3A_25, %div3A_3 : vector<2048x128xi1>, vector<2048x128xi32>
    %eq3A = arith.cmpi eq, %select_n3A, %iota3A_2 : vector<2048x128xi32>
    %jit3A_26 = arith.constant 1.000000e+00 : f32
    %jit3A_27 = arith.constant 0.000000e+00 : f32
    %broadcast_in_dim3A = vector.broadcast %jit3A_26 : f32 to vector<2048x128xf32>
    %broadcast_in_dim3A_28 = vector.broadcast %jit3A_27 : f32 to vector<2048x128xf32>
    %select_n3A_29 = arith.select %eq3A, %broadcast_in_dim3A, %broadcast_in_dim3A_28 : vector<2048x128xi1>, vector<2048x128xf32>
    %dot_general3A = arith.constant dense<0.000000e+00> : vector<128x128xf32>
    %dot_general3A_30 = tpu.matmul %get3A_1, %select_n3A_29, %dot_general3A {dimension_numbers = #tpu.dot_dimension_numbers<[1], [0], [0], [1], [0, 0, 1, 1], [], []>, transpose_lhs_hint = false} : vector<128x2048xf32>, vector<2048x128xf32>, vector<128x128xf32> -> vector<128x128xf32>
    %get3A_31 = arith.constant 0 : index
    %get3A_32 = arith.constant 0 : index
    %get3A_33 = vector.load %arg1[%get3A_31, %get3A_32] : memref<128x128xf32, #tpu.memory_space<vmem>>, vector<128x128xf32>
    %neg3A = arith.constant 0.000000e+00 : f32
    %neg3A_34 = vector.broadcast %neg3A : f32 to vector<128x128xf32>
    %neg3A_35 = arith.subf %neg3A_34, %dot_general3A_30 : vector<128x128xf32>
    %mul3A = arith.mulf %get3A_33, %neg3A_35 : vector<128x128xf32>
    %max3A = arith.constant 0.000000e+00 : f32
    %max3A_36 = vector.broadcast %max3A : f32 to vector<128x128xf32>
    %max3A_37 = arith.maximumf %mul3A, %max3A_36 : vector<128x128xf32>
    %abs3A = math.absf %mul3A : vector<128x128xf32>
    %neg3A_38 = arith.constant 0.000000e+00 : f32
    %neg3A_39 = vector.broadcast %neg3A_38 : f32 to vector<128x128xf32>
    %neg3A_40 = arith.subf %neg3A_39, %abs3A : vector<128x128xf32>
    %exp3A = math.exp %neg3A_40 : vector<128x128xf32>
    %log1p3A = math.log1p %exp3A : vector<128x128xf32>
    %add3A = arith.addf %max3A_37, %log1p3A : vector<128x128xf32>
    %reduce_sum3A = vector.shape_cast %add3A : vector<128x128xf32> to vector<1x128x128xf32>
    %reduce_sum3A_41 = arith.constant dense<0.000000e+00> : vector<1xf32>
    %reduce_sum3A_42 = vector.multi_reduction <add>, %reduce_sum3A, %reduce_sum3A_41 [1, 2] : vector<1x128x128xf32> to vector<1xf32>
    %reduce_sum3A_43 = vector.shape_cast %reduce_sum3A_42 : vector<1xf32> to vector<1x1x1xf32>
    %reduce_sum3A_44 = vector.extract %reduce_sum3A_43[0, 0, 0] : f32 from vector<1x1x1xf32>
    %mul3A_45 = arith.constant 6.10351563E-5 : f32
    %mul3A_46 = arith.mulf %reduce_sum3A_44, %mul3A_45 : f32
    %get3A_47 = arith.constant 0 : index
    %get3A_48 = arith.constant 0 : index
    %get3A_49 = vector.load %arg2[%get3A_47, %get3A_48] : memref<2x512xf32, #tpu.memory_space<vmem>>, vector<1x512xf32>
    %reduce_sum3A_50 = vector.shape_cast %get3A_49 : vector<1x512xf32> to vector<1x1x512xf32>
    %reduce_sum3A_51 = arith.constant dense<0.000000e+00> : vector<1xf32>
    %reduce_sum3A_52 = vector.multi_reduction <add>, %reduce_sum3A_50, %reduce_sum3A_51 [1, 2] : vector<1x1x512xf32> to vector<1xf32>
    %reduce_sum3A_53 = vector.shape_cast %reduce_sum3A_52 : vector<1xf32> to vector<1x1x1xf32>
    %reduce_sum3A_54 = vector.extract %reduce_sum3A_53[0, 0, 0] : f32 from vector<1x1x1xf32>
    %get3A_55 = arith.constant 1 : index
    %get3A_56 = arith.constant 0 : index
    %get3A_57 = vector.load %arg2[%get3A_55, %get3A_56] : memref<2x512xf32, #tpu.memory_space<vmem>>, vector<1x512xf32>
    %reduce_sum3A_58 = vector.shape_cast %get3A_57 : vector<1x512xf32> to vector<1x1x512xf32>
    %reduce_sum3A_59 = arith.constant dense<0.000000e+00> : vector<1xf32>
    %reduce_sum3A_60 = vector.multi_reduction <add>, %reduce_sum3A_58, %reduce_sum3A_59 [1, 2] : vector<1x1x512xf32> to vector<1xf32>
    %reduce_sum3A_61 = vector.shape_cast %reduce_sum3A_60 : vector<1xf32> to vector<1x1x1xf32>
    %reduce_sum3A_62 = vector.extract %reduce_sum3A_61[0, 0, 0] : f32 from vector<1x1x1xf32>
    %mul3A_63 = arith.constant 1.90734863E-6 : f32
    %mul3A_64 = arith.mulf %reduce_sum3A_54, %mul3A_63 : f32
    %mul3A_65 = arith.constant 9.53674316E-7 : f32
    %mul3A_66 = arith.mulf %reduce_sum3A_62, %mul3A_65 : f32
    %add3A_67 = arith.addf %mul3A_64, %mul3A_66 : f32
    %mul3A_68 = arith.constant 1.000000e-03 : f32
    %mul3A_69 = arith.mulf %mul3A_68, %add3A_67 : f32
    %add3A_70 = arith.addf %mul3A_46, %mul3A_69 : f32
    %swap3A = arith.constant 0 : index
    %swap3A_71 = arith.constant 0 : index
    %swap3A_72 = memref.load %arg3[%swap3A, %swap3A_71] : memref<1x1xf32, #tpu.memory_space<smem>>
    memref.store %add3A_70, %arg3[%swap3A, %swap3A_71] : memref<1x1xf32, #tpu.memory_space<smem>>
    return
  }
}

</mosaic_0001>

<sc_bundles>
// kernel: kernel.4.cloned.1.call-start
scs
__scs_entry_jumppad:
0x0: {  	(pc) =	sbr.rel $0x88, $3  }
0x1: {  	(tag) =	ssettag $0x0;
	lr =	simm.s32 $0x1  }
0x2: {  	[smem:$0x3F97] =	sst lr;
	_ =	strace $0xD0000000  }
0x3: {  	_ = 	snop  }
0x4: {  	_ = 	snop  }
0x5: {  	_ = 	snop  }
0x6: {  	_ = 	snop  }
0x7: {  	_ = 	snop  }
__scs_overlays_trampoline_lowered:
0x8: {  	[smem:$0x3FA6] =	sst s0  }
0x9: {  	[smem:$0x3FA7] =	sst s1  }
0xa: {  	[smem:$0x3FA8] =	sst s2  }
0xb: {  	[smem:$0x3FA9] =	sst s3  }
0xc: {  	[smem:$0x3FAA] =	sst s4  }
0xd: {  	[smem:$0x3FAB] =	sst s5  }
0xe: {  	[smem:$0x3FAC] =	sst s6  }
0xf: {  	[smem:$0x3FAD] =	sst s7  }
0x10: {  	[smem:$0x3FAE] =	sst s8  }
0x11: {  	[smem:$0x3FAF] =	sst s9;
	s0 =	simm.s32 @!p0 $0x0  }
0x12: {  	s1 =	sld [smem:$0x3F95];
	s0 =	simm.s32 @p0 $0x1  }
0x13: {  	[smem:$0x3FB0] =	sst s0;
	s0 =	simm.s32 @!p1 $0x0  }
0x14: {  	s2 =	sld [smem:$0x3F94];
	s0 =	simm.s32 @p1 $0x1  }
0x15: {  	[smem:$0x3FB1] =	sst s0;
	s0 =	simm.s32 @!p2 $0x0  }
0x16: {  	s3 =	sld [smem:$0x3FDB];
	s0 =	simm.s32 @p2 $0x1  }
0x17: {  	s4 =	simm.s32 $0x1BF5;
	[smem:$0x3FB3] =	sst s0  }
0x18: {  	s0 =	sld [smem:$0x3F96];
	_ =	swait.ge [sflag:s4], $0x0  }
0x19: {  	s7 =	sld [smem:$0x3F97]  }
0x1a: {  	s8 =	sadd.s32 $0xFFFFE003, lr  }
0x1b: {  	s9 =	sadd.s32 $0xFFFFFEF7, lr;
	s5 =	simm.s32 $0xFFFFFFFF;
	p2 =	slt.u32 s8, $0xFFFFF086  }
0x1c: {  	p1 =	slt.u32 s9, $0xF7A;
	s5 =	simm.s32 @!p2 $0x0  }
0x1d: {  	s5 =	simm.s32 @p1 $0x1;
	p0 =	seq.s32 s7, s2  }
0x1e: {  	s7 =	smul.u32 @!p0 $0xF7A, s2;
	p2 =	seq.s32 @!p0 s5, $0x0  }
0x1f: {  	s9 =	smul.u32 $0xF7A, s1;
	s8 =	simm.s32 @!p0 $0x1BF5;
	p2 =	por !p2, p0  }
0x20: {  	[sflag:s8] =	ssyncset.s32 @!p0 $0xFFFFF086;
	s6 =	sadd.s32 @!p0 s3, s7;
	s7 =	simm.s32 @!p0 $0x108  }
0x21: {  	s3 =	sadd.s32 s3, s9;
	s6 =	sadd.s32 @!p0 $0x88, s6;
	s7 =	simm.s32 @p2 $0x1082  }
0x22: {  	[simem:s7], [sflag:s8] =	dma.local @!p0 [hbm:s6], $0xF7A  }
0x23: {  	s9 =	sor.u32 $0xD0000000, s2;
	s6 =	simm.s32 $0x108;
	_ =	swait.ge @!p0 [sflag:s8], $0x0  }
0x24: {  	s3 =	sadd.s32 $0x88, s3;
	s6 =	simm.s32 @!p1 $0x1082;
	[sflag:s4] =	ssyncset.s32 $0xFFFFF086  }
0x25: {  	[simem:s6], [sflag:s4] =	dma.local [hbm:s3], $0xF7A  }
0x26: {  	[smem:$0x3F97] =	sst s1;
	(tag) =	ssettag s2;
	_ =	strace s9  }
0x27: {  	s1 =	sld [smem:$0x3FA7]  }
0x28: {  	s2 =	sld [smem:$0x3FA8]  }
0x29: {  	s4 =	sld [smem:$0x3FAA]  }
0x2a: {  	p0 =	seq.s32 s5, $0x0;
	s5 =	sld [smem:$0x3FAB]  }
0x2b: {  	s6 =	sld [smem:$0x3FAC]  }
0x2c: {  	s7 =	sld [smem:$0x3FAD]  }
0x2d: {  	s3 =	simm.s32 $0x108;
	s8 =	sld [smem:$0x3FAE]  }
0x2e: {  	s3 =	simm.s32 @!p0 $0x1082;
	s9 =	sld [smem:$0x3FAF]  }
0x2f: {  	lr =	sadd.s32 s0, s3;
	s0 =	sld [smem:$0x3FA6]  }
0x30: {  	s3 =	sld [smem:$0x3FA9]  }
0x31: {  	[smem:$0x3FB2] =	sst s10  }
0x32: {  	s10 =	sld [smem:$0x3FB0];
	_ =	sdelay $0x3  }
0x33: {  	p0 =	seq.s32 s10, $0x1;
	s10 =	sld [smem:$0x3FB2];
	_ =	sdelay $0x3  }
0x34: {  	[smem:$0x3FB2] =	sst s10  }
0x35: {  	s10 =	sld [smem:$0x3FB1];
	_ =	sdelay $0x3  }
0x36: {  	p1 =	seq.s32 s10, $0x1;
	s10 =	sld [smem:$0x3FB2];
	_ =	sdelay $0x3  }
0x37: {  	[smem:$0x3FB2] =	sst s10  }
0x38: {  	s10 =	sld [smem:$0x3FB3]  }
0x39: {  	_ = 	snop;
	(pc) =	sbr.ind lr, $3  }
0x3a: {  	_ = 	snop  }
0x3b: {  	_ = 	snop  }
0x3c: {  	p2 =	seq.s32 s10, $0x1;
	s10 =	sld [smem:$0x3FB2]  }
0x3d: {  	_ =	shalt  }
0x3e: {  	_ =	shalt  }
0x3f: {  	_ =	shalt  }
0x40: {  	_ =	shalt  }
0x41: {  	_ =	shalt  }
0x42: {  	_ =	shalt  }
0x43: {  	_ =	shalt  }
0x44: {  	_ =	shalt  }
0x45: {  	_ =	shalt  }
0x46: {  	_ =	shalt  }
0x47: {  	_ =	shalt  }
0x48: {  	_ =	shalt  }
0x49: {  	_ =	shalt  }
0x4a: {  	_ =	shalt  }
0x4b: {  	_ =	shalt  }
0x4c: {  	_ =	shalt  }
0x4d: {  	_ =	shalt  }
0x4e: {  	_ =	shalt  }
0x4f: {  	_ =	shalt  }
0x50: {  	_ =	shalt  }
0x51: {  	_ =	shalt  }
0x52: {  	_ =	shalt  }
0x53: {  	_ =	shalt  }
0x54: {  	_ =	shalt  }
0x55: {  	_ =	shalt  }
0x56: {  	_ =	shalt  }
0x57: {  	_ =	shalt  }
0x58: {  	_ =	shalt  }
0x59: {  	_ =	shalt  }
0x5a: {  	_ =	shalt  }
0x5b: {  	_ =	shalt  }
0x5c: {  	_ =	shalt  }
0x5d: {  	_ =	shalt  }
0x5e: {  	_ =	shalt  }
0x5f: {  	_ =	shalt  }
0x60: {  	_ =	shalt  }
0x61: {  	_ =	shalt  }
0x62: {  	_ =	shalt  }
0x63: {  	_ =	shalt  }
0x64: {  	_ =	shalt  }
0x65: {  	_ =	shalt  }
0x66: {  	_ =	shalt  }
0x67: {  	_ =	shalt  }
0x68: {  	_ =	shalt  }
0x69: {  	_ =	shalt  }
0x6a: {  	_ =	shalt  }
0x6b: {  	_ =	shalt  }
0x6c: {  	_ =	shalt  }
0x6d: {  	_ =	shalt  }
0x6e: {  	_ =	shalt  }
0x6f: {  	_ =	shalt  }
0x70: {  	_ =	shalt  }
0x71: {  	_ =	shalt  }
0x72: {  	_ =	shalt  }
0x73: {  	_ =	shalt  }
0x74: {  	_ =	shalt  }
0x75: {  	_ =	shalt  }
0x76: {  	_ =	shalt  }
0x77: {  	_ =	shalt  }
0x78: {  	_ =	shalt  }
0x79: {  	_ =	shalt  }
0x7a: {  	_ =	shalt  }
0x7b: {  	_ =	shalt  }
0x7c: {  	_ =	shalt  }
0x7d: {  	_ =	shalt  }
0x7e: {  	_ =	shalt  }
0x7f: {  	_ =	shalt  }
0x80: {  	_ =	shalt  }
0x81: {  	_ =	shalt  }
0x82: {  	_ =	shalt  }
0x83: {  	_ =	shalt  }
0x84: {  	_ =	shalt  }
0x85: {  	_ =	shalt  }
0x86: {  	_ =	shalt  }
0x87: {  	_ =	shalt  }
.Lfunc_end0:
.L_simem_size_0:
called_computation_lowered:
.L_overlay_start_0:
0x88: {  	s2 =	sld [smem:$0x3FD9]  }
0x89: {  	s3 =	sld [smem:$0x3FFE];
	_ =	sdelay $0x1  }
0x8a: {  	s1 =	srdreg.scid  }
0x8b: {  	s0 =	sand.u32 $0x1, s1  }
0x8c: {  	s17 =	sshll.u32 s0, $0xA;
	s2 =	sadd.s32 s3, s2  }
0x8d: {  	s2 =	sadd.s32 s2, s17  }
0x8e: {  	[smem:$0x3FBE] =	sst s2  }
0x8f: {  	_ = 	snop  }
0x90: {  	s2 =	sld [smem:$0x3FC9]  }
0x91: {  	s18 =	sld [smem:$0x3FC8]  }
0x92: {  	s4 =	sld [smem:$0x3FC7];
	(tm) =	ssettm $0x1  }
0x93: {  	s5 =	sld [smem:$0x3FFB];
	_ =	sdelay $0x3  }
0x94: {  	_ =	strace s5  }
0x95: {  	s5 =	sld [smem:$0x3FFC];
	_ =	sdelay $0x3  }
0x96: {  	_ =	strace s5  }
0x97: {  	s5 =	sld [smem:$0x3FFD];
	_ =	sdelay $0x3  }
0x98: {  	_ =	strace s5  }
0x99: {  	_ =	strace $0x8FFFFFFF  }
0x9a: {  	s19 =	sld [smem:$0x3FDB];
	_ =	sdelay $0x1  }
0x9b: {  	s6 =	simm.s32 $_scs_section_size  }
0x9c: {  	s7 =	simm.s32 $_size__tile_overlayer_lowered;
	s8 =	simm.s32 $_tile_overlayer_lowered  }
0x9d: {  	s22 =	simm.s32 $0x1BFF;
	s21 =	sshll.u32 s8, $0x1;
	s5 =	sadd.s32 s6, s19  }
0x9e: {  	s9 =	simm.s32 $0x0;
	s20 =	sshll.u32 s7, $0x1;
	s7 =	sadd.s32 s21, s5  }
0x9f: {  	[timem:s9], [sflag:s22] =	dma.local [hbm:s7], s20  }
0xa0: {  	_ =	swait.ge [sflag:s22], s20  }
0xa1: {  	s6 =	ssub.s32 $0x0, s20;
	[sflag:s22] =	ssyncset.done $0x0  }
0xa2: {  	[sflag:s22] =	ssyncadd.s32 s6;
	_ =	sdelay $0x1  }
0xa3: {  	s23 =	simm.s32 $0x1B8B  }
0xa4: {  	_ =	swait.ge [sflag:s23], $0x1  }
0xa5: {  	[sflag:s23] =	ssyncset.done $0x0  }
0xa6: {  	s25 =	simm.s32 $0x1B8E;
	s24 =	sld [smem:$0x3FFE];
	[sflag:s23] =	ssyncadd.s32 $0xFFFFFFFF  }
0xa7: {  	s26 =	simm.s32 $execute0_lowered;
	[smem:$0x3FD2] =	sst s25  }
0xa8: {  	s7 =	sshll.u32 s26, $0x1;
	_ =	strace $0x80000046;
	[dreg:$0x1] =	wrdreg $0xFFFFFFFF  }
0xa9: {  	s28 =	simm.s32 $_size_execute0_lowered;
	s5 =	sadd.s32 s5, s7;
	[dreg:$0x0] =	wrdreg $0x0  }
0xaa: {  	s7 =	sshll.u32 s28, $0x1;
	[dreg:$0x2] =	wrdreg s5  }
0xab: {  	[dreg:$0x3] =	wrdreg s7  }
0xac: {  	[dreg:$0x4] =	wrdreg $0xC0  }
0xad: {  	_ =	task [dreg:s9], $0x5FFFF  }
0xae: {  	[dreg:$0x1] =	wrdreg $0xFFFFFFFF  }
0xaf: {  	[dreg:$0x0] =	wrdreg $0x60  }
0xb0: {  	[dreg:$0x2] =	wrdreg s24  }
0xb1: {  	[dreg:$0x3] =	wrdreg s2  }
0xb2: {  	[dreg:$0x4] =	wrdreg s18  }
0xb3: {  	[dreg:$0x5] =	wrdreg s4  }
0xb4: {  	[dreg:$0x6] =	wrdreg $0x9  }
0xb5: {  	_ =	task.clear_ibuf [dreg:s9], $0x7FFFF;
	_ =	strace $0x90000046  }
0xb6: {  	s29 =	simm.s32 $0x9;
	_ =	strace $0x80000048  }
0xb7: {  	_ =	swait.ge [sflag:s29], $0x1  }
0xb8: {  	[sflag:s29] =	ssyncadd.s32 $0xFFFFFFFF  }
0xb9: {  	_ =	strace $0x90000048  }
0xba: {  	_ =	sfence  }
0xbb: {  	s30 =	sld [smem:$0x0];
	_ =	sdelay $0x2  }
0xbc: {  	s31 =	sshll.u32 s1, $0xD;
	s1 =	sshrl.u32 s1, $0x2  }
0xbd: {  	s3 =	sand.u32 $0x4000, s31;
	s1 =	sadd.s32 s1, s30  }
0xbe: {  	s0 =	sor.u32 s3, s0;
	s1 =	sshll.u32 s1, $0x11  }
0xbf: {  	s0 =	sor.u32 s1, s0  }
0xc0: {  	s0 =	sadd.s32 $0x8F2B, s0  }
0xc1: {  	[sflag:s0] =	ssyncadd.remote.s32 $0x1  }
0xc2: {  	_ =	sfence.sel $0xFFFF  }
0xc3: {  	[dreg:$0x0] =	wrdreg $0xFFFFFFFF;
	(pc) =	sbr.abs _section_cstart, $3  }
0xc4: {  	[dreg:$0x1] =	wrdreg $0xFFFFFFFF  }
0xc5: {  	_ =	task.clear_ibuf [dreg:s9], $0x2FFFF;
	_ =	strace $0x9FFFFFFF  }
0xc6: {  	(tm) =	ssettm $0x7FFFFFFF  }
0xc7: {  	_ =	shalt  }
tec
execute0_lowered:
.L_overlay_start_1:
0x0: {  	(tag) =	ssettag $0x1  }
0x1: {  	s0 =	rddreg [dreg:$0x0]  }
0x2: {  	s1 =	rddreg [dreg:$0x1]  }
0x3: {  	s6 =	rddreg [dreg:$0x2]  }
0x4: {  	s7 =	rddreg [dreg:$0x3];
	s2 =	simm.s32 $0x0  }
0x5: {  	s3 =	srdreg.scid;
	s4 =	stileid.u32;
	s15 =	simm.s32 $0x4  }
0x6: {  	s17 =	simm.s32 $0x400;
	s18 =	simm.s32 $0x80;
	s19 =	simm.s32 $0x600  }
0x7: {  	s20 =	simm.s32 $0x4600;
	s21 =	simm.s32 $0x8600;
	s22 =	simm.s32 $0xC600  }
0x8: {  	s24 =	simm.s32 $0x10600;
	s26 =	simm.s32 $0x14600;
	s28 =	simm.s32 $0x1  }
0x9: {  	s29 =	simm.s32 $0x18600;
	s23 =	simm.s32 $0x3;
	s25 =	simm.s32 $0x18E00  }
0xa: {  	[smem:$0x7FF] =	sst s2;
	s5 =	sand.u32 $0x1, s3;
	s4 =	sshll.u32 s4, $0x1  }
0xb: {  	s3 =	sadd.s32 $0x496A00, s0;
	_ =	strace $0x80000047;
	s8 =	sor.u32 s5, s4  }
0xc: {  	s4 =	sadd.s32 $0x2C00, s0;
	s5 =	ssub.s32 $0x2, s5;
	s9 =	sshll.u32 s8, $0xA  }
0xd: {  	s31 =	sshll.u32 s8, $0x1;
	s10 =	sshrl.u32 s5, $0x1;
	s8 =	sshll.u32 s8, $0x6  }
0xe: {  	s11 =	sadd.s32 s9, s0;
	s0 =	sadd.s32 s31, s0;
	s14 =	ssub.s32 s5, s10  }
0xf: {  	s5 =	sadd.s32 s1, s8;
	s6 =	sadd.s32 s6, s8;
	s7 =	sadd.s32 s7, s8  }
0x10: {  	s1 =	simm.s32 $0x2;
	s8 =	sadd.s32 $0x6C00, s11;
	s9 =	sadd.s32 $0x6D00, s11  }
0x11: {  	s10 =	sadd.s32 $0x6E00, s11;
	s11 =	sadd.s32 $0x6F00, s11;
	s12 =	sadd.s32 $0xEC00, s0  }
0x12: {  	s13 =	sadd.s32 $0xEC40, s0;
	s14 =	smax.u32 s14, $0x1;
	s0 =	simm.s32 $0x0  }
.LBB2_1:
0x13: {  	[tilespmem:s2], [sflag:$0x4] =	stream.linear.gather [hbm4b:s5+s2], $0x200, $0x38;
	[tilespmem:$0x19620] =	vst v63  }
0x14: {  	_ =	swait.ge [sflag:s15], $0x200  }
0x15: {  	[sflag:s15] =	ssyncset.done $0x0  }
0x16: {  	s16 =	simm.s32 $0x200;
	[sflag:s15] =	ssyncadd.s32 $0xFFFFFE00  }
0x17: {  	[tilespmem:s16], [sflag:$0x4] =	stream.linear.gather [hbm4b:s6+s2], $0x200, $0x38;
	[tilespmem:$0x19620] =	vst v63  }
0x18: {  	_ =	swait.ge [sflag:s15], $0x200  }
0x19: {  	[sflag:s15] =	ssyncset.done $0x0  }
0x1a: {  	[sflag:s15] =	ssyncadd.s32 $0xFFFFFE00  }
0x1b: {  	[tilespmem:s17], [sflag:$0x4] =	stream.linear.gather [hbm4b:s7+s2], $0x200, $0x38;
	[tilespmem:$0x19620] =	vst v63  }
0x1c: {  	_ =	swait.ge [sflag:s15], $0x200  }
0x1d: {  	[sflag:s15] =	ssyncset.done $0x0  }
0x1e: {  	[sflag:s15] =	ssyncadd.s32 $0xFFFFFE00  }
0x1f: {  	[tilespmem:s19], [sflag:$0x1] =	stream.indirect.gather [hbm4b:s3+s18], $0x80, s2, s18, $0xb8;
	[tilespmem:$0x19620] =	vst v63  }
0x20: {  	_ = 	snop  }
0x21: {  	[tilespmem:s20], [sflag:$0x1] =	stream.indirect.gather [hbm4b:s3+s18], $0x80, s16, s18, $0xb8;
	[tilespmem:$0x19620] =	vst v63  }
0x22: {  	_ = 	snop  }
0x23: {  	[tilespmem:s21], [sflag:$0x1] =	stream.indirect.gather [hbm4b:s4+s18], $0x80, s17, s18, $0xb8;
	[tilespmem:$0x19620] =	vst v63  }
0x24: {  	_ = 	snop  }
0x25: {  	[tilespmem:s22], [sflag:$0x2] =	stream.indirect.gather [hbm4b:s3+s18], $0x80, s18, s18, $0xb8;
	[tilespmem:$0x19620] =	vst v63  }
0x26: {  	s16 =	simm.s32 $0x280  }
0x27: {  	[tilespmem:s24], [sflag:$0x2] =	stream.indirect.gather [hbm4b:s3+s18], $0x80, s16, s18, $0xb8;
	[tilespmem:$0x19620] =	vst v63  }
0x28: {  	s16 =	simm.s32 $0x480  }
0x29: {  	[tilespmem:s26], [sflag:$0x2] =	stream.indirect.gather [hbm4b:s4+s18], $0x80, s16, s18, $0xb8;
	[tilespmem:$0x19620] =	vst v63  }
0x2a: {  	_ =	swait.ge [sflag:s28], $0x4000  }
0x2b: {  	[sflag:s28] =	ssyncset.done $0x0  }
0x2c: {  	[sflag:s28] =	ssyncadd.s32 $0xFFFFC000  }
0x2d: {  	_ =	swait.ge [sflag:s28], $0x4000  }
0x2e: {  	[sflag:s28] =	ssyncset.done $0x0  }
0x2f: {  	[sflag:s28] =	ssyncadd.s32 $0xFFFFC000  }
0x30: {  	_ =	swait.ge [sflag:s28], $0x4000  }
0x31: {  	[sflag:s28] =	ssyncset.done $0x0  }
0x32: {  	s16 =	simm.s32 $0x0;
	[sflag:s28] =	ssyncadd.s32 $0xFFFFC000  }
0x33: {  	v0 =	vld [tilespmem:s16+$0x8660]  }
0x34: {  	v1 =	vld [tilespmem:s16+$0x8650]  }
0x35: {  	v2 =	vld [tilespmem:s16+$0x8640]  }
0x36: {  	v3 =	vld [tilespmem:s16+$0x4600]  }
0x37: {  	v4 =	vld [tilespmem:s16+$0x600]  }
0x38: {  	v5 =	vld [tilespmem:s16+$0x4620]  }
0x39: {  	v6 =	vld [tilespmem:s16+$0x620]  }
0x3a: {  	v7 =	vld [tilespmem:s16+$0x4610]  }
0x3b: {  	v8 =	vld [tilespmem:s16+$0x610]  }
0x3c: {  	v9 =	vld [tilespmem:s16+$0x4630]  }
0x3d: {  	v10 =	vld [tilespmem:s16+$0x630]  }
0x3e: {  	v11 =	vld [tilespmem:s16+$0x8600]  }
0x3f: {  	v12 =	vld [tilespmem:s16+$0x8620];
	v13 =	vmul.f32 v3, v4;
	v14 =	vmul.f32 v5, v4  }
0x40: {  	v17 =	vld [tilespmem:s16+$0x8610];
	v15 =	vmul.f32 v5, v6;
	v16 =	vmul.f32 v3, v6  }
0x41: {  	v18 =	vld [tilespmem:s16+$0x8630];
	v19 =	vmul.f32 v7, v8;
	v20 =	vmul.f32 v9, v8  }
0x42: {  	v23 =	vld [tilespmem:s16+$0x640];
	v21 =	vmul.f32 v9, v10;
	v22 =	vmul.f32 v7, v10  }
0x43: {  	v13 =	vadd.f32 v15, v13;
	v14 =	vsub.f32 v14, v16;
	v15 =	vld [tilespmem:s16+$0x4640]  }
0x44: {  	v61 =	vld [tilespmem:s16+$0x650];
	v3 =	vmul.f32 v3, v3;
	v19 =	vadd.f32 v21, v19;
	v20 =	vsub.f32 v20, v22  }
0x45: {  	v62 =	vld [tilespmem:s16+$0x4650];
	v13 =	vmul.f32 v13, v11;
	v14 =	vmul.f32 v12, v14  }
0x46: {  	v24 =	vld [tilespmem:s16+$0x660];
	v19 =	vmul.f32 v19, v17;
	v20 =	vmul.f32 v18, v20  }
0x47: {  	v25 =	vld [tilespmem:s16+$0x4660];
	v5 =	vmul.f32 v5, v5;
	v4 =	vmul.f32 v4, v4  }
0x48: {  	v63 =	vld [tilespmem:s16+$0x670];
	v13 =	vadd.f32 v14, v13;
	v14 =	vadd.f32 v20, v19;
	v19 =	vmul.f32 v15, v23  }
0x49: {  	v26 =	vld [tilespmem:s16+$0x4670];
	v6 =	vmul.f32 v6, v6;
	v8 =	vmul.f32 v8, v8;
	v3 =	vadd.f32 v5, v3  }
0x4a: {  	v5 =	vadd.f32 v14, v13;
	v14 =	vmul.f32 v62, v61;
	v13 =	vmul.f32 v2, v19  }
0x4b: {  	v4 =	vadd.f32 v6, v4;
	v6 =	vmul.f32 v11, v11;
	v11 =	vld [tilespmem:s16+$0x8670];
	v19 =	vmul.f32 v1, v1  }
0x4c: {  	v1 =	vmul.f32 v1, v14;
	v5 =	vadd.f32 v13, v5;
	v13 =	vmul.f32 v25, v24  }
0x4d: {  	v16 =	vmul.f32 v0, v0;
	v3 =	vadd.f32 v3, v4;
	v4 =	vmul.f32 v12, v12  }
0x4e: {  	v1 =	vadd.f32 v1, v5;
	v0 =	vmul.f32 v0, v13;
	v5 =	vmul.f32 v26, v63  }
0x4f: {  	v7 =	vmul.f32 v7, v7;
	v4 =	vadd.f32 v4, v6;
	v6 =	vmul.f32 v10, v10  }
0x50: {  	v9 =	vmul.f32 v9, v9;
	v0 =	vadd.f32 v0, v1;
	v1 =	vmul.f32 v11, v5  }
0x51: {  	v12 =	vmul.f32 v62, v62;
	v10 =	vadd.f32 v6, v8;
	v6 =	vmul.f32 v15, v15  }
0x52: {  	v8 =	vmul.f32 v61, v61;
	v5 =	vmul.f32 v23, v23;
	v0 =	vadd.f32 v1, v0  }
0x53: {  	v1 =	vadd.f32 v9, v7;
	v7 =	vmul.f32 v24, v24;
	v9 =	vmul.f32 v25, v25  }
0x54: {  	s31 =	simm.s32 $0x80;
	v2 =	vmul.f32 v2, v2;
	v8 =	vadd.f32 v12, v8;
	v6 =	vadd.f32 v6, v5;
	[tilespmem:s29+$0x0] =	vst v0  }
0x55: {  	v3 =	vadd.f32 v4, v3;
	v12 =	vmul.f32 v63, v63;
	v7 =	vadd.f32 v9, v7;
	v5 =	vld [tilespmem:s31+$0x8660]  }
0x56: {  	v13 =	vadd.f32 v19, v8;
	v2 =	vadd.f32 v2, v6;
	v9 =	vmul.f32 v26, v26;
	v6 =	vld [tilespmem:s31+$0x8650]  }
0x57: {  	v14 =	vmul.f32 v18, v18;
	v0 =	vmul.f32 v17, v17;
	v8 =	vld [tilespmem:s31+$0x8640];
	v4 =	vadd.f32 v16, v7  }
0x58: {  	v15 =	vld [tilespmem:s31+$0x4600];
	v7 =	vmul.f32 v11, v11;
	v9 =	vadd.f32 v9, v12;
	v2 =	vadd.f32 v13, v2  }
0x59: {  	v1 =	vadd.f32 v1, v10;
	v0 =	vadd.f32 v14, v0;
	v16 =	vld [tilespmem:s31+$0x600]  }
0x5a: {  	v13 =	vimm.f32 $0.0e+00;
	v11 =	vld [tilespmem:s31+$0x4620];
	v7 =	vadd.f32 v7, v9;
	v2 =	vadd.f32 v4, v2  }
0x5b: {  	v12 =	vld [tilespmem:s31+$0x620];
	v3 =	vadd.f32 v3, v13;
	v0 =	vadd.f32 v0, v1  }
0x5c: {  	v10 =	vld [tilespmem:s31+$0x610];
	v1 =	vmul.f32 v5, v5;
	v9 =	vadd.f32 v7, v2  }
0x5d: {  	v7 =	vld [tilespmem:s31+$0x4610];
	v3 =	vadd.f32 v0, v3;
	v2 =	vmul.f32 v6, v6;
	v4 =	vmul.f32 v8, v8  }
0x5e: {  	s30 =	simm.s32 $0x18600;
	s16 =	simm.s32 $0x400;
	v14 =	vmul.f32 v15, v15;
	v0 =	vadd.f32 v9, v13;
	v13 =	vmul.f32 v16, v16;
	v9 =	vld [tilespmem:s31+$0x4630]  }
.LBB2_2:
0x5f: {  	p0 =	sne.s32 s16, $0xFE00;
	v17 =	vmul.f32 v11, v11;
	v18 =	vld [tilespmem:s31+$0x630]  }
0x60: {  	v19 =	vld [tilespmem:s31+$0x8600];
	v20 =	vmul.f32 v12, v12  }
0x61: {  	v22 =	vmul.f32 v15, v16;
	v16 =	vmul.f32 v11, v16;
	v21 =	vld [tilespmem:s31+$0x8620];
	v14 =	vadd.f32 v17, v14  }
0x62: {  	v11 =	vmul.f32 v11, v12;
	v12 =	vmul.f32 v15, v12;
	v13 =	vadd.f32 v20, v13;
	v15 =	vld [tilespmem:s31+$0x8610]  }
0x63: {  	v20 =	vmul.f32 v7, v10;
	v17 =	vld [tilespmem:s31+$0x8630];
	v23 =	vmul.f32 v9, v10  }
0x64: {  	v13 =	vadd.f32 v14, v13;
	v14 =	vmul.f32 v9, v18;
	v24 =	vmul.f32 v7, v18;
	v25 =	vld [tilespmem:s31+$0x640]  }
0x65: {  	v11 =	vadd.f32 v11, v22;
	v12 =	vsub.f32 v16, v12;
	v16 =	vmul.f32 v19, v19;
	v22 =	vld [tilespmem:s31+$0x4640]  }
0x66: {  	v26 =	vmul.f32 v21, v21;
	v14 =	vadd.f32 v14, v20;
	v20 =	vsub.f32 v23, v24;
	v23 =	vld [tilespmem:s31+$0x650]  }
0x67: {  	v11 =	vmul.f32 v11, v19;
	v12 =	vmul.f32 v21, v12;
	v19 =	vld [tilespmem:s31+$0x4650]  }
0x68: {  	v16 =	vadd.f32 v26, v16;
	v14 =	vmul.f32 v14, v15;
	v20 =	vmul.f32 v17, v20;
	v21 =	vld [tilespmem:s31+$0x660]  }
0x69: {  	v10 =	vmul.f32 v10, v10;
	v18 =	vmul.f32 v18, v18;
	v24 =	vld [tilespmem:s31+$0x4660]  }
0x6a: {  	v11 =	vadd.f32 v12, v11;
	v12 =	vadd.f32 v20, v14;
	v14 =	vmul.f32 v22, v25;
	v20 =	vld [tilespmem:s31+$0x670]  }
0x6b: {  	v7 =	vmul.f32 v7, v7;
	v9 =	vmul.f32 v9, v9;
	v10 =	vadd.f32 v18, v10;
	v18 =	vld [tilespmem:s31+$0x4670]  }
0x6c: {  	v11 =	vadd.f32 v12, v11;
	v8 =	vmul.f32 v8, v14;
	v12 =	vmul.f32 v19, v23  }
0x6d: {  	v7 =	vadd.f32 v9, v7;
	v9 =	vmul.f32 v15, v15;
	v14 =	vmul.f32 v17, v17;
	v15 =	vld [tilespmem:s31+$0x8670]  }
0x6e: {  	v8 =	vadd.f32 v8, v11;
	v6 =	vmul.f32 v6, v12;
	v11 =	vmul.f32 v24, v21  }
0x6f: {  	v7 =	vadd.f32 v7, v10;
	v10 =	vmul.f32 v25, v25;
	v12 =	vadd.f32 v16, v13  }
0x70: {  	v6 =	vadd.f32 v6, v8;
	v5 =	vmul.f32 v5, v11;
	v8 =	vmul.f32 v18, v20  }
0x71: {  	v9 =	vadd.f32 v14, v9;
	v3 =	vadd.f32 v12, v3;
	v11 =	vmul.f32 v22, v22  }
0x72: {  	v12 =	vmul.f32 v23, v23;
	v5 =	vadd.f32 v5, v6;
	v6 =	vmul.f32 v15, v8  }
0x73: {  	v7 =	vadd.f32 v9, v7;
	v9 =	vmul.f32 v19, v19;
	v8 =	vadd.f32 v11, v10  }
0x74: {  	v10 =	vmul.f32 v21, v21;
	v11 =	vmul.f32 v24, v24;
	v5 =	vadd.f32 v6, v5  }
0x75: {  	s30 =	sadd.s32 $0x10, s30;
	v3 =	vadd.f32 v7, v3;
	v7 =	vmul.f32 v20, v20;
	v6 =	vadd.f32 v9, v12  }
0x76: {  	s31 =	sshra.s32 s16, $0x2;
	v4 =	vadd.f32 v4, v8;
	v8 =	vadd.f32 v11, v10;
	v9 =	vmul.f32 v18, v18;
	[tilespmem:s30+$0x0] =	vst v5  }
0x77: {  	v10 =	vmul.f32 v15, v15;
	v2 =	vadd.f32 v2, v6;
	v5 =	vld [tilespmem:s31+$0x8660]  }
0x78: {  	v1 =	vadd.f32 v1, v8;
	v7 =	vadd.f32 v9, v7;
	v6 =	vld [tilespmem:s31+$0x8650]  }
0x79: {  	v2 =	vadd.f32 v2, v4;
	v8 =	vld [tilespmem:s31+$0x8640]  }
0x7a: {  	v4 =	vadd.f32 v10, v7;
	v15 =	vld [tilespmem:s31+$0x4600]  }
0x7b: {  	v7 =	vadd.f32 v1, v2;
	v16 =	vld [tilespmem:s31+$0x600]  }
.Ltmp0:
0x7c: {  	v11 =	vld [tilespmem:s31+$0x4620];
	v1 =	vmul.f32 v5, v5;
	(pc) =	sbr.rel @p0 .LBB2_2-.Ltmp0, $4  }
0x7d: {  	v9 =	vadd.f32 v4, v7;
	v12 =	vld [tilespmem:s31+$0x620];
	v2 =	vmul.f32 v6, v6  }
0x7e: {  	v7 =	vld [tilespmem:s31+$0x4610];
	v4 =	vmul.f32 v8, v8  }
0x7f: {  	v0 =	vadd.f32 v9, v0;
	v14 =	vmul.f32 v15, v15;
	v10 =	vld [tilespmem:s31+$0x610]  }
0x80: {  	s16 =	sadd.s32 $0x200, s16;
	v13 =	vmul.f32 v16, v16;
	v9 =	vld [tilespmem:s31+$0x4630]  }
0x81: {  	v17 =	vld [tilespmem:s31+$0x630]  }
0x82: {  	v18 =	vld [tilespmem:s31+$0x8600]  }
0x83: {  	v19 =	vld [tilespmem:s31+$0x8620];
	v20 =	vmul.f32 v15, v16;
	v16 =	vmul.f32 v11, v16  }
0x84: {  	v22 =	vld [tilespmem:s31+$0x8610];
	v21 =	vmul.f32 v11, v12;
	v15 =	vmul.f32 v15, v12  }
0x85: {  	v23 =	vld [tilespmem:s31+$0x8630];
	v24 =	vmul.f32 v7, v10;
	v25 =	vmul.f32 v9, v10  }
0x86: {  	v28 =	vld [tilespmem:s31+$0x640];
	v26 =	vmul.f32 v9, v17;
	v27 =	vmul.f32 v7, v17  }
0x87: {  	v20 =	vadd.f32 v21, v20;
	v15 =	vsub.f32 v16, v15;
	v16 =	vld [tilespmem:s31+$0x4640]  }
0x88: {  	v37 =	vld [tilespmem:s31+$0x650];
	v35 =	vadd.f32 v26, v24;
	v36 =	vsub.f32 v25, v27  }
0x89: {  	v38 =	vld [tilespmem:s31+$0x4650];
	v20 =	vmul.f32 v20, v18;
	v15 =	vmul.f32 v19, v15  }
0x8a: {  	v39 =	vld [tilespmem:s31+$0x660];
	v21 =	vmul.f32 v35, v22;
	v24 =	vmul.f32 v23, v36  }
0x8b: {  	v29 =	vld [tilespmem:s31+$0x4660]  }
0x8c: {  	v42 =	vld [tilespmem:s31+$0x670];
	v15 =	vadd.f32 v15, v20;
	v41 =	vmul.f32 v16, v28;
	v40 =	vadd.f32 v24, v21  }
0x8d: {  	v30 =	vld [tilespmem:s31+$0x4670]  }
0x8e: {  	v43 =	vmul.f32 v38, v37;
	v8 =	vmul.f32 v8, v41;
	v15 =	vadd.f32 v40, v15  }
0x8f: {  	v44 =	vld [tilespmem:s31+$0x8670]  }
0x90: {  	v6 =	vmul.f32 v6, v43;
	v8 =	vadd.f32 v8, v15;
	v15 =	vmul.f32 v29, v39;
	_ =	sdelay $0x1  }
0x91: {  	v6 =	vadd.f32 v6, v8;
	v5 =	vmul.f32 v5, v15;
	v8 =	vmul.f32 v30, v42;
	_ =	sdelay $0x1  }
0x92: {  	v5 =	vadd.f32 v5, v6;
	v6 =	vmul.f32 v44, v8;
	_ =	sdelay $0x1  }
0x93: {  	v5 =	vadd.f32 v6, v5  }
0x94: {  	s16 =	sadd.s32 $0x10, s30  }
0x95: {  	[tilespmem:s16+$0x0] =	vst v5;
	s16 =	simm.s32 $0x0  }
0x96: {  	[hbm4b:s8+s16] =	stream.linear.scatter [tilespmem:s29], [sflag:$0x3], $0x800, $0x38;
	[tilespmem:$0x19620] =	vst v63  }
0x97: {  	s16 =	simm.s32 $0x100  }
0x98: {  	[tilespmem:s19], [sflag:$0x1] =	stream.indirect.gather [hbm4b:s3+s18], $0x80, s16, s18, $0xb8;
	[tilespmem:$0x19620] =	vst v63  }
0x99: {  	s16 =	simm.s32 $0x300  }
0x9a: {  	[tilespmem:s20], [sflag:$0x1] =	stream.indirect.gather [hbm4b:s3+s18], $0x80, s16, s18, $0xb8;
	[tilespmem:$0x19620] =	vst v63  }
0x9b: {  	s16 =	simm.s32 $0x500  }
0x9c: {  	[tilespmem:s21], [sflag:$0x1] =	stream.indirect.gather [hbm4b:s4+s18], $0x80, s16, s18, $0xb8;
	[tilespmem:$0x19620] =	vst v63  }
0x9d: {  	_ =	swait.ge [sflag:s1], $0x4000  }
0x9e: {  	[sflag:s1] =	ssyncset.done $0x0  }
0x9f: {  	[sflag:s1] =	ssyncadd.s32 $0xFFFFC000  }
0xa0: {  	_ =	swait.ge [sflag:s1], $0x4000  }
0xa1: {  	[sflag:s1] =	ssyncset.done $0x0  }
0xa2: {  	[sflag:s1] =	ssyncadd.s32 $0xFFFFC000  }
0xa3: {  	v10 =	vmul.f32 v10, v10;
	_ =	swait.ge [sflag:s1], $0x4000  }
0xa4: {  	v6 =	vmul.f32 v12, v12;
	v5 =	vmul.f32 v11, v11;
	[sflag:s1] =	ssyncset.done $0x0  }
0xa5: {  	v7 =	vmul.f32 v7, v7;
	v8 =	vmul.f32 v18, v18;
	s16 =	simm.s32 $0x0;
	[sflag:s1] =	ssyncadd.s32 $0xFFFFC000  }
0xa6: {  	v11 =	vmul.f32 v19, v19;
	v6 =	vadd.f32 v6, v13;
	v5 =	vadd.f32 v5, v14;
	v13 =	vld [tilespmem:s16+$0x14660]  }
0xa7: {  	v9 =	vmul.f32 v9, v9;
	v12 =	vmul.f32 v17, v17;
	v14 =	vld [tilespmem:s16+$0x14650]  }
0xa8: {  	v5 =	vadd.f32 v5, v6;
	v6 =	vadd.f32 v11, v8;
	v8 =	vld [tilespmem:s16+$0x14640]  }
0xa9: {  	v7 =	vadd.f32 v9, v7;
	v10 =	vadd.f32 v12, v10;
	v9 =	vld [tilespmem:s16+$0x10600]  }
0xaa: {  	v5 =	vadd.f32 v6, v5;
	v6 =	vld [tilespmem:s16+$0xC600]  }
0xab: {  	v12 =	vmul.f32 v23, v23;
	v7 =	vadd.f32 v7, v10;
	v11 =	vmul.f32 v22, v22;
	v10 =	vld [tilespmem:s16+$0x10620]  }
0xac: {  	v15 =	vmul.f32 v28, v28;
	v3 =	vadd.f32 v5, v3;
	v5 =	vmul.f32 v16, v16;
	v16 =	vld [tilespmem:s16+$0xC620]  }
0xad: {  	v17 =	vmul.f32 v38, v38;
	v11 =	vadd.f32 v12, v11;
	v12 =	vmul.f32 v37, v37;
	v18 =	vld [tilespmem:s16+$0x10610]  }
0xae: {  	v19 =	vmul.f32 v29, v29;
	v5 =	vadd.f32 v5, v15;
	v15 =	vmul.f32 v39, v39;
	v45 =	vld [tilespmem:s16+$0xC610]  }
0xaf: {  	v7 =	vadd.f32 v11, v7;
	v11 =	vadd.f32 v17, v12;
	v12 =	vld [tilespmem:s16+$0x10630]  }
0xb0: {  	v17 =	vmul.f32 v42, v42;
	v4 =	vadd.f32 v4, v5;
	v5 =	vadd.f32 v19, v15;
	v15 =	vld [tilespmem:s16+$0xC630]  }
0xb1: {  	v2 =	vadd.f32 v2, v11;
	v11 =	vmul.f32 v44, v44;
	v19 =	vmul.f32 v30, v30;
	v46 =	vld [tilespmem:s16+$0x14600]  }
0xb2: {  	v1 =	vadd.f32 v1, v5;
	v5 =	vld [tilespmem:s16+$0x14620];
	v47 =	vmul.f32 v9, v6;
	v48 =	vmul.f32 v10, v6  }
0xb3: {  	v17 =	vadd.f32 v19, v17;
	v50 =	vld [tilespmem:s16+$0x14610];
	v19 =	vmul.f32 v10, v16;
	v49 =	vmul.f32 v9, v16  }
0xb4: {  	v2 =	vadd.f32 v2, v4;
	v4 =	vld [tilespmem:s16+$0x14630];
	v51 =	vmul.f32 v18, v45;
	v52 =	vmul.f32 v12, v45  }
0xb5: {  	v11 =	vadd.f32 v11, v17;
	v54 =	vld [tilespmem:s16+$0xC640];
	v17 =	vmul.f32 v12, v15;
	v53 =	vmul.f32 v18, v15  }
0xb6: {  	v56 =	vld [tilespmem:s16+$0x10640];
	v9 =	vmul.f32 v9, v9;
	v19 =	vadd.f32 v19, v47;
	v55 =	vsub.f32 v48, v49  }
0xb7: {  	v59 =	vld [tilespmem:s16+$0xC650];
	v10 =	vmul.f32 v10, v10;
	v17 =	vadd.f32 v17, v51;
	v58 =	vsub.f32 v52, v53  }
0xb8: {  	v1 =	vadd.f32 v1, v2;
	v60 =	vld [tilespmem:s16+$0x10650];
	v2 =	vmul.f32 v19, v46;
	v19 =	vmul.f32 v5, v55  }
0xb9: {  	v3 =	vadd.f32 v7, v3;
	v61 =	vld [tilespmem:s16+$0xC660];
	v7 =	vmul.f32 v17, v50;
	v17 =	vmul.f32 v4, v58  }
0xba: {  	v1 =	vadd.f32 v11, v1;
	v11 =	vld [tilespmem:s16+$0x10660];
	v57 =	vmul.f32 v13, v13;
	v9 =	vadd.f32 v10, v9  }
0xbb: {  	v10 =	vld [tilespmem:s16+$0x10670];
	v2 =	vadd.f32 v19, v2;
	v7 =	vadd.f32 v17, v7;
	v17 =	vmul.f32 v56, v54  }
0xbc: {  	v6 =	vmul.f32 v6, v6;
	v16 =	vmul.f32 v16, v16;
	v19 =	vld [tilespmem:s16+$0xC670]  }
0xbd: {  	v2 =	vadd.f32 v7, v2;
	v7 =	vmul.f32 v8, v17;
	v17 =	vmul.f32 v60, v59  }
0xbe: {  	v63 =	vld [tilespmem:s16+$0x14670];
	v62 =	vmul.f32 v14, v14;
	v12 =	vmul.f32 v12, v12;
	v6 =	vadd.f32 v16, v6  }
0xbf: {  	v2 =	vadd.f32 v7, v2;
	v7 =	vmul.f32 v14, v17;
	v14 =	vmul.f32 v11, v61  }
0xc0: {  	v16 =	vmul.f32 v46, v46;
	v9 =	vadd.f32 v9, v6;
	v5 =	vmul.f32 v5, v5  }
0xc1: {  	v2 =	vadd.f32 v7, v2;
	v7 =	vmul.f32 v13, v14;
	v13 =	vmul.f32 v10, v19  }
0xc2: {  	v6 =	vmul.f32 v45, v45;
	v14 =	vadd.f32 v5, v16;
	v5 =	vmul.f32 v15, v15  }
0xc3: {  	v17 =	vmul.f32 v60, v60;
	v2 =	vadd.f32 v7, v2;
	v7 =	vmul.f32 v63, v13  }
0xc4: {  	v15 =	vmul.f32 v18, v18;
	v16 =	vmul.f32 v59, v59;
	v13 =	vadd.f32 v5, v6  }
0xc5: {  	v5 =	vmul.f32 v54, v54;
	v6 =	vmul.f32 v56, v56;
	v2 =	vadd.f32 v7, v2  }
0xc6: {  	s30 =	simm.s32 $0x18E00;
	v11 =	vmul.f32 v11, v11;
	v7 =	vadd.f32 v12, v15;
	v12 =	vmul.f32 v61, v61  }
0xc7: {  	s31 =	simm.s32 $0x80;
	v8 =	vmul.f32 v8, v8;
	v6 =	vadd.f32 v6, v5;
	v15 =	vadd.f32 v17, v16;
	[tilespmem:s30+$0x0] =	vst v2  }
0xc8: {  	v10 =	vmul.f32 v10, v10;
	v16 =	vmul.f32 v19, v19;
	v11 =	vadd.f32 v11, v12;
	v5 =	vld [tilespmem:s31+$0x14660]  }
0xc9: {  	v4 =	vmul.f32 v4, v4;
	v12 =	vadd.f32 v8, v6;
	v15 =	vadd.f32 v62, v15;
	v6 =	vld [tilespmem:s31+$0x14650]  }
0xca: {  	v9 =	vadd.f32 v14, v9;
	v2 =	vmul.f32 v50, v50;
	v10 =	vadd.f32 v10, v16;
	v8 =	vld [tilespmem:s31+$0x14640]  }
0xcb: {  	v14 =	vmul.f32 v63, v63;
	v16 =	vld [tilespmem:s31+$0xC600];
	v11 =	vadd.f32 v57, v11;
	v12 =	vadd.f32 v15, v12  }
0xcc: {  	v7 =	vadd.f32 v7, v13;
	v15 =	vld [tilespmem:s31+$0x10600];
	v2 =	vadd.f32 v4, v2  }
0xcd: {  	v4 =	vadd.f32 v14, v10;
	v10 =	vadd.f32 v11, v12;
	v11 =	vld [tilespmem:s31+$0x10620]  }
0xce: {  	v3 =	vadd.f32 v9, v3;
	v2 =	vadd.f32 v2, v7;
	v12 =	vld [tilespmem:s31+$0xC620]  }
0xcf: {  	v0 =	vadd.f32 v1, v0;
	v7 =	vld [tilespmem:s31+$0x10610];
	v1 =	vmul.f32 v5, v5;
	v9 =	vadd.f32 v4, v10  }
0xd0: {  	v3 =	vadd.f32 v2, v3;
	v2 =	vmul.f32 v6, v6;
	v4 =	vmul.f32 v8, v8;
	v10 =	vld [tilespmem:s31+$0xC610]  }
0xd1: {  	s16 =	simm.s32 $0x400;
	v13 =	vmul.f32 v16, v16;
	v14 =	vmul.f32 v15, v15;
	v0 =	vadd.f32 v9, v0;
	v9 =	vld [tilespmem:s31+$0x10630]  }
.LBB2_4:
0xd2: {  	p0 =	sne.s32 s16, $0xFE00;
	v17 =	vmul.f32 v11, v11;
	v18 =	vld [tilespmem:s31+$0xC630]  }
0xd3: {  	v19 =	vld [tilespmem:s31+$0x14600];
	v20 =	vmul.f32 v12, v12  }
0xd4: {  	v22 =	vmul.f32 v15, v16;
	v16 =	vmul.f32 v11, v16;
	v21 =	vld [tilespmem:s31+$0x14620];
	v14 =	vadd.f32 v17, v14  }
0xd5: {  	v11 =	vmul.f32 v11, v12;
	v12 =	vmul.f32 v15, v12;
	v13 =	vadd.f32 v20, v13;
	v15 =	vld [tilespmem:s31+$0x14610]  }
0xd6: {  	v20 =	vmul.f32 v7, v10;
	v17 =	vld [tilespmem:s31+$0x14630];
	v23 =	vmul.f32 v9, v10  }
0xd7: {  	v13 =	vadd.f32 v14, v13;
	v14 =	vmul.f32 v9, v18;
	v24 =	vmul.f32 v7, v18;
	v25 =	vld [tilespmem:s31+$0xC640]  }
0xd8: {  	v11 =	vadd.f32 v11, v22;
	v12 =	vsub.f32 v16, v12;
	v16 =	vmul.f32 v19, v19;
	v22 =	vld [tilespmem:s31+$0x10640]  }
0xd9: {  	v26 =	vmul.f32 v21, v21;
	v14 =	vadd.f32 v14, v20;
	v20 =	vsub.f32 v23, v24;
	v23 =	vld [tilespmem:s31+$0xC650]  }
0xda: {  	v11 =	vmul.f32 v11, v19;
	v12 =	vmul.f32 v21, v12;
	v19 =	vld [tilespmem:s31+$0x10650]  }
0xdb: {  	v16 =	vadd.f32 v26, v16;
	v14 =	vmul.f32 v14, v15;
	v20 =	vmul.f32 v17, v20;
	v21 =	vld [tilespmem:s31+$0xC660]  }
0xdc: {  	v10 =	vmul.f32 v10, v10;
	v18 =	vmul.f32 v18, v18;
	v24 =	vld [tilespmem:s31+$0x10660]  }
0xdd: {  	v11 =	vadd.f32 v12, v11;
	v12 =	vadd.f32 v20, v14;
	v14 =	vmul.f32 v22, v25;
	v20 =	vld [tilespmem:s31+$0xC670]  }
0xde: {  	v7 =	vmul.f32 v7, v7;
	v9 =	vmul.f32 v9, v9;
	v10 =	vadd.f32 v18, v10;
	v18 =	vld [tilespmem:s31+$0x10670]  }
0xdf: {  	v11 =	vadd.f32 v12, v11;
	v8 =	vmul.f32 v8, v14;
	v12 =	vmul.f32 v19, v23  }
0xe0: {  	v7 =	vadd.f32 v9, v7;
	v9 =	vmul.f32 v15, v15;
	v14 =	vmul.f32 v17, v17;
	v15 =	vld [tilespmem:s31+$0x14670]  }
0xe1: {  	v8 =	vadd.f32 v8, v11;
	v6 =	vmul.f32 v6, v12;
	v11 =	vmul.f32 v24, v21  }
0xe2: {  	v7 =	vadd.f32 v7, v10;
	v10 =	vmul.f32 v25, v25;
	v12 =	vadd.f32 v16, v13  }
0xe3: {  	v6 =	vadd.f32 v6, v8;
	v5 =	vmul.f32 v5, v11;
	v8 =	vmul.f32 v18, v20  }
0xe4: {  	v9 =	vadd.f32 v14, v9;
	v3 =	vadd.f32 v12, v3;
	v11 =	vmul.f32 v22, v22  }
0xe5: {  	v12 =	vmul.f32 v23, v23;
	v5 =	vadd.f32 v5, v6;
	v6 =	vmul.f32 v15, v8  }
0xe6: {  	v7 =	vadd.f32 v9, v7;
	v9 =	vmul.f32 v19, v19;
	v8 =	vadd.f32 v11, v10  }
0xe7: {  	v10 =	vmul.f32 v21, v21;
	v11 =	vmul.f32 v24, v24;
	v5 =	vadd.f32 v6, v5  }
0xe8: {  	s30 =	sadd.s32 $0x10, s30;
	v3 =	vadd.f32 v7, v3;
	v7 =	vmul.f32 v20, v20;
	v6 =	vadd.f32 v9, v12  }
0xe9: {  	s31 =	sshra.s32 s16, $0x2;
	v4 =	vadd.f32 v4, v8;
	v8 =	vadd.f32 v11, v10;
	v9 =	vmul.f32 v18, v18;
	[tilespmem:s30+$0x0] =	vst v5  }
0xea: {  	v10 =	vmul.f32 v15, v15;
	v2 =	vadd.f32 v2, v6;
	v5 =	vld [tilespmem:s31+$0x14660]  }
0xeb: {  	v1 =	vadd.f32 v1, v8;
	v7 =	vadd.f32 v9, v7;
	v6 =	vld [tilespmem:s31+$0x14650]  }
0xec: {  	v2 =	vadd.f32 v2, v4;
	v8 =	vld [tilespmem:s31+$0x14640]  }
0xed: {  	v4 =	vadd.f32 v10, v7;
	v15 =	vld [tilespmem:s31+$0x10600]  }
0xee: {  	v7 =	vadd.f32 v1, v2;
	v16 =	vld [tilespmem:s31+$0xC600]  }
.Ltmp1:
0xef: {  	v11 =	vld [tilespmem:s31+$0x10620];
	v1 =	vmul.f32 v5, v5;
	(pc) =	sbr.rel @p0 .LBB2_4-.Ltmp1, $4  }
0xf0: {  	v9 =	vadd.f32 v4, v7;
	v12 =	vld [tilespmem:s31+$0xC620];
	v2 =	vmul.f32 v6, v6  }
0xf1: {  	v7 =	vld [tilespmem:s31+$0x10610];
	v4 =	vmul.f32 v8, v8  }
0xf2: {  	v0 =	vadd.f32 v9, v0;
	v14 =	vmul.f32 v15, v15;
	v10 =	vld [tilespmem:s31+$0xC610]  }
0xf3: {  	s16 =	sadd.s32 $0x200, s16;
	v13 =	vmul.f32 v16, v16;
	v9 =	vld [tilespmem:s31+$0x10630]  }
0xf4: {  	v17 =	vld [tilespmem:s31+$0xC630]  }
0xf5: {  	v18 =	vld [tilespmem:s31+$0x14600]  }
0xf6: {  	v19 =	vld [tilespmem:s31+$0x14620];
	v20 =	vmul.f32 v15, v16;
	v16 =	vmul.f32 v11, v16  }
0xf7: {  	v22 =	vld [tilespmem:s31+$0x14610];
	v21 =	vmul.f32 v11, v12;
	v15 =	vmul.f32 v15, v12  }
0xf8: {  	v23 =	vld [tilespmem:s31+$0x14630];
	v24 =	vmul.f32 v7, v10;
	v25 =	vmul.f32 v9, v10  }
0xf9: {  	v28 =	vld [tilespmem:s31+$0xC640];
	v26 =	vmul.f32 v9, v17;
	v27 =	vmul.f32 v7, v17  }
0xfa: {  	v20 =	vadd.f32 v21, v20;
	v15 =	vsub.f32 v16, v15;
	v16 =	vld [tilespmem:s31+$0x10640]  }
0xfb: {  	v37 =	vld [tilespmem:s31+$0xC650];
	v35 =	vadd.f32 v26, v24;
	v36 =	vsub.f32 v25, v27  }
0xfc: {  	v38 =	vld [tilespmem:s31+$0x10650];
	v20 =	vmul.f32 v20, v18;
	v15 =	vmul.f32 v19, v15  }
0xfd: {  	v39 =	vld [tilespmem:s31+$0xC660];
	v21 =	vmul.f32 v35, v22;
	v24 =	vmul.f32 v23, v36  }
0xfe: {  	v29 =	vld [tilespmem:s31+$0x10660]  }
0xff: {  	v42 =	vld [tilespmem:s31+$0xC670];
	v15 =	vadd.f32 v15, v20;
	v41 =	vmul.f32 v16, v28;
	v40 =	vadd.f32 v24, v21  }
0x100: {  	v30 =	vld [tilespmem:s31+$0x10670]  }
0x101: {  	v43 =	vmul.f32 v38, v37;
	v8 =	vmul.f32 v8, v41;
	v15 =	vadd.f32 v40, v15  }
0x102: {  	v44 =	vld [tilespmem:s31+$0x14670]  }
0x103: {  	v6 =	vmul.f32 v6, v43;
	v8 =	vadd.f32 v8, v15;
	v15 =	vmul.f32 v29, v39;
	_ =	sdelay $0x1  }
0x104: {  	v6 =	vadd.f32 v6, v8;
	v5 =	vmul.f32 v5, v15;
	v8 =	vmul.f32 v30, v42;
	_ =	sdelay $0x1  }
0x105: {  	v5 =	vadd.f32 v5, v6;
	v6 =	vmul.f32 v44, v8;
	_ =	sdelay $0x1  }
0x106: {  	v5 =	vadd.f32 v6, v5  }
0x107: {  	s16 =	sadd.s32 $0x10, s30  }
0x108: {  	[tilespmem:s16+$0x0] =	vst v5  }
0x109: {  	_ =	swait.ge [sflag:s23], $0x800  }
0x10a: {  	[sflag:s23] =	ssyncset.done $0x0  }
0x10b: {  	s16 =	simm.s32 $0x0;
	[sflag:s23] =	ssyncadd.s32 $0xFFFFF800  }
0x10c: {  	[hbm4b:s9+s16] =	stream.linear.scatter [tilespmem:s25], [sflag:$0x3], $0x800, $0x38;
	[tilespmem:$0x19620] =	vst v63  }
0x10d: {  	s16 =	simm.s32 $0x180  }
0x10e: {  	[tilespmem:s22], [sflag:$0x2] =	stream.indirect.gather [hbm4b:s3+s18], $0x80, s16, s18, $0xb8;
	[tilespmem:$0x19620] =	vst v63  }
0x10f: {  	s16 =	simm.s32 $0x380  }
0x110: {  	[tilespmem:s24], [sflag:$0x2] =	stream.indirect.gather [hbm4b:s3+s18], $0x80, s16, s18, $0xb8;
	[tilespmem:$0x19620] =	vst v63  }
0x111: {  	s16 =	simm.s32 $0x580  }
0x112: {  	[tilespmem:s26], [sflag:$0x2] =	stream.indirect.gather [hbm4b:s4+s18], $0x80, s16, s18, $0xb8;
	[tilespmem:$0x19620] =	vst v63  }
0x113: {  	_ =	swait.ge [sflag:s28], $0x4000  }
0x114: {  	[sflag:s28] =	ssyncset.done $0x0  }
0x115: {  	[sflag:s28] =	ssyncadd.s32 $0xFFFFC000  }
0x116: {  	_ =	swait.ge [sflag:s28], $0x4000  }
0x117: {  	[sflag:s28] =	ssyncset.done $0x0  }
0x118: {  	[sflag:s28] =	ssyncadd.s32 $0xFFFFC000  }
0x119: {  	v10 =	vmul.f32 v10, v10;
	_ =	swait.ge [sflag:s28], $0x4000  }
0x11a: {  	v6 =	vmul.f32 v12, v12;
	v5 =	vmul.f32 v11, v11;
	[sflag:s28] =	ssyncset.done $0x0  }
0x11b: {  	v7 =	vmul.f32 v7, v7;
	v8 =	vmul.f32 v18, v18;
	s16 =	simm.s32 $0x0;
	[sflag:s28] =	ssyncadd.s32 $0xFFFFC000  }
0x11c: {  	v11 =	vmul.f32 v19, v19;
	v6 =	vadd.f32 v6, v13;
	v5 =	vadd.f32 v5, v14;
	v13 =	vld [tilespmem:s16+$0x8660]  }
0x11d: {  	v9 =	vmul.f32 v9, v9;
	v12 =	vmul.f32 v17, v17;
	v14 =	vld [tilespmem:s16+$0x8650]  }
0x11e: {  	v5 =	vadd.f32 v5, v6;
	v6 =	vadd.f32 v11, v8;
	v8 =	vld [tilespmem:s16+$0x8640]  }
0x11f: {  	v7 =	vadd.f32 v9, v7;
	v10 =	vadd.f32 v12, v10;
	v9 =	vld [tilespmem:s16+$0x4600]  }
0x120: {  	v5 =	vadd.f32 v6, v5;
	v6 =	vld [tilespmem:s16+$0x600]  }
0x121: {  	v12 =	vmul.f32 v23, v23;
	v7 =	vadd.f32 v7, v10;
	v11 =	vmul.f32 v22, v22;
	v10 =	vld [tilespmem:s16+$0x4620]  }
0x122: {  	v15 =	vmul.f32 v28, v28;
	v3 =	vadd.f32 v5, v3;
	v5 =	vmul.f32 v16, v16;
	v16 =	vld [tilespmem:s16+$0x620]  }
0x123: {  	v17 =	vmul.f32 v38, v38;
	v11 =	vadd.f32 v12, v11;
	v12 =	vmul.f32 v37, v37;
	v18 =	vld [tilespmem:s16+$0x4610]  }
0x124: {  	v19 =	vmul.f32 v29, v29;
	v5 =	vadd.f32 v5, v15;
	v15 =	vmul.f32 v39, v39;
	v45 =	vld [tilespmem:s16+$0x610]  }
0x125: {  	v7 =	vadd.f32 v11, v7;
	v11 =	vadd.f32 v17, v12;
	v12 =	vld [tilespmem:s16+$0x4630]  }
0x126: {  	v17 =	vmul.f32 v42, v42;
	v4 =	vadd.f32 v4, v5;
	v5 =	vadd.f32 v19, v15;
	v15 =	vld [tilespmem:s16+$0x630]  }
0x127: {  	v2 =	vadd.f32 v2, v11;
	v11 =	vmul.f32 v44, v44;
	v19 =	vmul.f32 v30, v30;
	v46 =	vld [tilespmem:s16+$0x8600]  }
0x128: {  	v1 =	vadd.f32 v1, v5;
	v5 =	vld [tilespmem:s16+$0x8620];
	v47 =	vmul.f32 v9, v6;
	v48 =	vmul.f32 v10, v6  }
0x129: {  	v17 =	vadd.f32 v19, v17;
	v50 =	vld [tilespmem:s16+$0x8610];
	v19 =	vmul.f32 v10, v16;
	v49 =	vmul.f32 v9, v16  }
0x12a: {  	v2 =	vadd.f32 v2, v4;
	v4 =	vld [tilespmem:s16+$0x8630];
	v51 =	vmul.f32 v18, v45;
	v52 =	vmul.f32 v12, v45  }
0x12b: {  	v11 =	vadd.f32 v11, v17;
	v54 =	vld [tilespmem:s16+$0x640];
	v17 =	vmul.f32 v12, v15;
	v53 =	vmul.f32 v18, v15  }
0x12c: {  	v56 =	vld [tilespmem:s16+$0x4640];
	v9 =	vmul.f32 v9, v9;
	v19 =	vadd.f32 v19, v47;
	v55 =	vsub.f32 v48, v49  }
0x12d: {  	v59 =	vld [tilespmem:s16+$0x650];
	v10 =	vmul.f32 v10, v10;
	v17 =	vadd.f32 v17, v51;
	v58 =	vsub.f32 v52, v53  }
0x12e: {  	v1 =	vadd.f32 v1, v2;
	v60 =	vld [tilespmem:s16+$0x4650];
	v2 =	vmul.f32 v19, v46;
	v19 =	vmul.f32 v5, v55  }
0x12f: {  	v3 =	vadd.f32 v7, v3;
	v61 =	vld [tilespmem:s16+$0x660];
	v7 =	vmul.f32 v17, v50;
	v17 =	vmul.f32 v4, v58  }
0x130: {  	v1 =	vadd.f32 v11, v1;
	v11 =	vld [tilespmem:s16+$0x4660];
	v57 =	vmul.f32 v13, v13;
	v9 =	vadd.f32 v10, v9  }
0x131: {  	v10 =	vld [tilespmem:s16+$0x4670];
	v2 =	vadd.f32 v19, v2;
	v7 =	vadd.f32 v17, v7;
	v17 =	vmul.f32 v56, v54  }
0x132: {  	v6 =	vmul.f32 v6, v6;
	v16 =	vmul.f32 v16, v16;
	v19 =	vld [tilespmem:s16+$0x670]  }
0x133: {  	v2 =	vadd.f32 v7, v2;
	v7 =	vmul.f32 v8, v17;
	v17 =	vmul.f32 v60, v59  }
0x134: {  	v63 =	vld [tilespmem:s16+$0x8670];
	v62 =	vmul.f32 v14, v14;
	v12 =	vmul.f32 v12, v12;
	v6 =	vadd.f32 v16, v6  }
0x135: {  	v2 =	vadd.f32 v7, v2;
	v7 =	vmul.f32 v14, v17;
	v14 =	vmul.f32 v11, v61  }
0x136: {  	v16 =	vmul.f32 v46, v46;
	v9 =	vadd.f32 v9, v6;
	v5 =	vmul.f32 v5, v5  }
0x137: {  	v2 =	vadd.f32 v7, v2;
	v7 =	vmul.f32 v13, v14;
	v13 =	vmul.f32 v10, v19  }
0x138: {  	v6 =	vmul.f32 v45, v45;
	v14 =	vadd.f32 v5, v16;
	v5 =	vmul.f32 v15, v15  }
0x139: {  	v17 =	vmul.f32 v60, v60;
	v2 =	vadd.f32 v7, v2;
	v7 =	vmul.f32 v63, v13  }
0x13a: {  	v15 =	vmul.f32 v18, v18;
	v16 =	vmul.f32 v59, v59;
	v13 =	vadd.f32 v5, v6  }
0x13b: {  	v5 =	vmul.f32 v54, v54;
	v6 =	vmul.f32 v56, v56;
	v2 =	vadd.f32 v7, v2  }
0x13c: {  	s30 =	simm.s32 $0x18600;
	v11 =	vmul.f32 v11, v11;
	v7 =	vadd.f32 v12, v15;
	v12 =	vmul.f32 v61, v61  }
0x13d: {  	s31 =	simm.s32 $0x80;
	v8 =	vmul.f32 v8, v8;
	v6 =	vadd.f32 v6, v5;
	v15 =	vadd.f32 v17, v16;
	[tilespmem:s30+$0x0] =	vst v2  }
0x13e: {  	v10 =	vmul.f32 v10, v10;
	v16 =	vmul.f32 v19, v19;
	v11 =	vadd.f32 v11, v12;
	v5 =	vld [tilespmem:s31+$0x8660]  }
0x13f: {  	v4 =	vmul.f32 v4, v4;
	v12 =	vadd.f32 v8, v6;
	v15 =	vadd.f32 v62, v15;
	v6 =	vld [tilespmem:s31+$0x8650]  }
0x140: {  	v9 =	vadd.f32 v14, v9;
	v2 =	vmul.f32 v50, v50;
	v10 =	vadd.f32 v10, v16;
	v8 =	vld [tilespmem:s31+$0x8640]  }
0x141: {  	v14 =	vmul.f32 v63, v63;
	v16 =	vld [tilespmem:s31+$0x600];
	v11 =	vadd.f32 v57, v11;
	v12 =	vadd.f32 v15, v12  }
0x142: {  	v7 =	vadd.f32 v7, v13;
	v15 =	vld [tilespmem:s31+$0x4600];
	v2 =	vadd.f32 v4, v2  }
0x143: {  	v4 =	vadd.f32 v14, v10;
	v10 =	vadd.f32 v11, v12;
	v11 =	vld [tilespmem:s31+$0x4620]  }
0x144: {  	v3 =	vadd.f32 v9, v3;
	v2 =	vadd.f32 v2, v7;
	v12 =	vld [tilespmem:s31+$0x620]  }
0x145: {  	v0 =	vadd.f32 v1, v0;
	v7 =	vld [tilespmem:s31+$0x4610];
	v1 =	vmul.f32 v5, v5;
	v9 =	vadd.f32 v4, v10  }
0x146: {  	v3 =	vadd.f32 v2, v3;
	v2 =	vmul.f32 v6, v6;
	v4 =	vmul.f32 v8, v8;
	v10 =	vld [tilespmem:s31+$0x610]  }
0x147: {  	s16 =	simm.s32 $0x400;
	v13 =	vmul.f32 v16, v16;
	v14 =	vmul.f32 v15, v15;
	v0 =	vadd.f32 v9, v0;
	v9 =	vld [tilespmem:s31+$0x4630]  }
.LBB2_6:
0x148: {  	p0 =	sne.s32 s16, $0xFE00;
	v17 =	vmul.f32 v11, v11;
	v18 =	vld [tilespmem:s31+$0x630]  }
0x149: {  	v19 =	vld [tilespmem:s31+$0x8600];
	v20 =	vmul.f32 v12, v12  }
0x14a: {  	v22 =	vmul.f32 v15, v16;
	v16 =	vmul.f32 v11, v16;
	v21 =	vld [tilespmem:s31+$0x8620];
	v14 =	vadd.f32 v17, v14  }
0x14b: {  	v11 =	vmul.f32 v11, v12;
	v12 =	vmul.f32 v15, v12;
	v13 =	vadd.f32 v20, v13;
	v15 =	vld [tilespmem:s31+$0x8610]  }
0x14c: {  	v20 =	vmul.f32 v7, v10;
	v17 =	vld [tilespmem:s31+$0x8630];
	v23 =	vmul.f32 v9, v10  }
0x14d: {  	v13 =	vadd.f32 v14, v13;
	v14 =	vmul.f32 v9, v18;
	v24 =	vmul.f32 v7, v18;
	v25 =	vld [tilespmem:s31+$0x640]  }
0x14e: {  	v11 =	vadd.f32 v11, v22;
	v12 =	vsub.f32 v16, v12;
	v16 =	vmul.f32 v19, v19;
	v22 =	vld [tilespmem:s31+$0x4640]  }
0x14f: {  	v26 =	vmul.f32 v21, v21;
	v14 =	vadd.f32 v14, v20;
	v20 =	vsub.f32 v23, v24;
	v23 =	vld [tilespmem:s31+$0x650]  }
0x150: {  	v11 =	vmul.f32 v11, v19;
	v12 =	vmul.f32 v21, v12;
	v19 =	vld [tilespmem:s31+$0x4650]  }
0x151: {  	v16 =	vadd.f32 v26, v16;
	v14 =	vmul.f32 v14, v15;
	v20 =	vmul.f32 v17, v20;
	v21 =	vld [tilespmem:s31+$0x660]  }
0x152: {  	v10 =	vmul.f32 v10, v10;
	v18 =	vmul.f32 v18, v18;
	v24 =	vld [tilespmem:s31+$0x4660]  }
0x153: {  	v11 =	vadd.f32 v12, v11;
	v12 =	vadd.f32 v20, v14;
	v14 =	vmul.f32 v22, v25;
	v20 =	vld [tilespmem:s31+$0x670]  }
0x154: {  	v7 =	vmul.f32 v7, v7;
	v9 =	vmul.f32 v9, v9;
	v10 =	vadd.f32 v18, v10;
	v18 =	vld [tilespmem:s31+$0x4670]  }
0x155: {  	v11 =	vadd.f32 v12, v11;
	v8 =	vmul.f32 v8, v14;
	v12 =	vmul.f32 v19, v23  }
0x156: {  	v7 =	vadd.f32 v9, v7;
	v9 =	vmul.f32 v15, v15;
	v14 =	vmul.f32 v17, v17;
	v15 =	vld [tilespmem:s31+$0x8670]  }
0x157: {  	v8 =	vadd.f32 v8, v11;
	v6 =	vmul.f32 v6, v12;
	v11 =	vmul.f32 v24, v21  }
0x158: {  	v7 =	vadd.f32 v7, v10;
	v10 =	vmul.f32 v25, v25;
	v12 =	vadd.f32 v16, v13  }
0x159: {  	v6 =	vadd.f32 v6, v8;
	v5 =	vmul.f32 v5, v11;
	v8 =	vmul.f32 v18, v20  }
0x15a: {  	v9 =	vadd.f32 v14, v9;
	v3 =	vadd.f32 v12, v3;
	v11 =	vmul.f32 v22, v22  }
0x15b: {  	v12 =	vmul.f32 v23, v23;
	v5 =	vadd.f32 v5, v6;
	v6 =	vmul.f32 v15, v8  }
0x15c: {  	v7 =	vadd.f32 v9, v7;
	v9 =	vmul.f32 v19, v19;
	v8 =	vadd.f32 v11, v10  }
0x15d: {  	v10 =	vmul.f32 v21, v21;
	v11 =	vmul.f32 v24, v24;
	v5 =	vadd.f32 v6, v5  }
0x15e: {  	s30 =	sadd.s32 $0x10, s30;
	v3 =	vadd.f32 v7, v3;
	v7 =	vmul.f32 v20, v20;
	v6 =	vadd.f32 v9, v12  }
0x15f: {  	s31 =	sshra.s32 s16, $0x2;
	v4 =	vadd.f32 v4, v8;
	v8 =	vadd.f32 v11, v10;
	v9 =	vmul.f32 v18, v18;
	[tilespmem:s30+$0x0] =	vst v5  }
0x160: {  	v10 =	vmul.f32 v15, v15;
	v2 =	vadd.f32 v2, v6;
	v5 =	vld [tilespmem:s31+$0x8660]  }
0x161: {  	v1 =	vadd.f32 v1, v8;
	v7 =	vadd.f32 v9, v7;
	v6 =	vld [tilespmem:s31+$0x8650]  }
0x162: {  	v2 =	vadd.f32 v2, v4;
	v8 =	vld [tilespmem:s31+$0x8640]  }
0x163: {  	v4 =	vadd.f32 v10, v7;
	v15 =	vld [tilespmem:s31+$0x4600]  }
0x164: {  	v7 =	vadd.f32 v1, v2;
	v16 =	vld [tilespmem:s31+$0x600]  }
.Ltmp2:
0x165: {  	v11 =	vld [tilespmem:s31+$0x4620];
	v1 =	vmul.f32 v5, v5;
	(pc) =	sbr.rel @p0 .LBB2_6-.Ltmp2, $4  }
0x166: {  	v9 =	vadd.f32 v4, v7;
	v12 =	vld [tilespmem:s31+$0x620];
	v2 =	vmul.f32 v6, v6  }
0x167: {  	v7 =	vld [tilespmem:s31+$0x4610];
	v4 =	vmul.f32 v8, v8  }
0x168: {  	v0 =	vadd.f32 v9, v0;
	v14 =	vmul.f32 v15, v15;
	v10 =	vld [tilespmem:s31+$0x610]  }
0x169: {  	s16 =	sadd.s32 $0x200, s16;
	v13 =	vmul.f32 v16, v16;
	v9 =	vld [tilespmem:s31+$0x4630]  }
0x16a: {  	v17 =	vld [tilespmem:s31+$0x630]  }
0x16b: {  	v18 =	vld [tilespmem:s31+$0x8600]  }
0x16c: {  	v19 =	vld [tilespmem:s31+$0x8620];
	v20 =	vmul.f32 v15, v16;
	v16 =	vmul.f32 v11, v16  }
0x16d: {  	v22 =	vld [tilespmem:s31+$0x8610];
	v21 =	vmul.f32 v11, v12;
	v15 =	vmul.f32 v15, v12  }
0x16e: {  	v23 =	vld [tilespmem:s31+$0x8630];
	v24 =	vmul.f32 v7, v10;
	v25 =	vmul.f32 v9, v10  }
0x16f: {  	v28 =	vld [tilespmem:s31+$0x640];
	v26 =	vmul.f32 v9, v17;
	v27 =	vmul.f32 v7, v17  }
0x170: {  	v20 =	vadd.f32 v21, v20;
	v15 =	vsub.f32 v16, v15;
	v16 =	vld [tilespmem:s31+$0x4640]  }
0x171: {  	v39 =	vld [tilespmem:s31+$0x650];
	v37 =	vadd.f32 v26, v24;
	v38 =	vsub.f32 v25, v27  }
0x172: {  	v40 =	vld [tilespmem:s31+$0x4650];
	v20 =	vmul.f32 v20, v18;
	v15 =	vmul.f32 v19, v15  }
0x173: {  	v41 =	vld [tilespmem:s31+$0x660];
	v21 =	vmul.f32 v37, v22;
	v24 =	vmul.f32 v23, v38  }
0x174: {  	v29 =	vld [tilespmem:s31+$0x4660]  }
0x175: {  	v44 =	vld [tilespmem:s31+$0x670];
	v15 =	vadd.f32 v15, v20;
	v43 =	vmul.f32 v16, v28;
	v42 =	vadd.f32 v24, v21  }
0x176: {  	v30 =	vld [tilespmem:s31+$0x4670]  }
0x177: {  	v45 =	vmul.f32 v40, v39;
	v8 =	vmul.f32 v8, v43;
	v15 =	vadd.f32 v42, v15  }
0x178: {  	v46 =	vld [tilespmem:s31+$0x8670]  }
0x179: {  	v6 =	vmul.f32 v6, v45;
	v8 =	vadd.f32 v8, v15;
	v15 =	vmul.f32 v29, v41;
	_ =	sdelay $0x1  }
0x17a: {  	v6 =	vadd.f32 v6, v8;
	v5 =	vmul.f32 v5, v15;
	v8 =	vmul.f32 v30, v44;
	_ =	sdelay $0x1  }
0x17b: {  	v5 =	vadd.f32 v5, v6;
	v6 =	vmul.f32 v46, v8;
	_ =	sdelay $0x1  }
0x17c: {  	v5 =	vadd.f32 v6, v5  }
0x17d: {  	s16 =	sadd.s32 $0x10, s30  }
0x17e: {  	[tilespmem:s16+$0x0] =	vst v5  }
0x17f: {  	_ =	swait.ge [sflag:s23], $0x800  }
0x180: {  	[sflag:s23] =	ssyncset.done $0x0  }
0x181: {  	s16 =	simm.s32 $0x0;
	[sflag:s23] =	ssyncadd.s32 $0xFFFFF800  }
0x182: {  	[hbm4b:s10+s16] =	stream.linear.scatter [tilespmem:s29], [sflag:$0x3], $0x800, $0x38;
	[tilespmem:$0x19620] =	vst v63  }
0x183: {  	_ =	swait.ge [sflag:s1], $0x4000  }
0x184: {  	[sflag:s1] =	ssyncset.done $0x0  }
0x185: {  	[sflag:s1] =	ssyncadd.s32 $0xFFFFC000  }
0x186: {  	_ =	swait.ge [sflag:s1], $0x4000  }
0x187: {  	[sflag:s1] =	ssyncset.done $0x0  }
0x188: {  	v10 =	vmul.f32 v10, v10;
	[sflag:s1] =	ssyncadd.s32 $0xFFFFC000  }
0x189: {  	v6 =	vmul.f32 v12, v12;
	v5 =	vmul.f32 v11, v11;
	_ =	swait.ge [sflag:s1], $0x4000  }
0x18a: {  	v7 =	vmul.f32 v7, v7;
	v8 =	vmul.f32 v18, v18;
	[sflag:s1] =	ssyncset.done $0x0  }
0x18b: {  	v11 =	vmul.f32 v19, v19;
	v6 =	vadd.f32 v6, v13;
	v5 =	vadd.f32 v5, v14;
	s16 =	simm.s32 $0x0;
	[sflag:s1] =	ssyncadd.s32 $0xFFFFC000  }
0x18c: {  	v9 =	vmul.f32 v9, v9;
	v12 =	vmul.f32 v17, v17;
	v13 =	vld [tilespmem:s16+$0x14660]  }
0x18d: {  	v5 =	vadd.f32 v5, v6;
	v6 =	vadd.f32 v11, v8;
	v14 =	vld [tilespmem:s16+$0x14650]  }
0x18e: {  	v7 =	vadd.f32 v9, v7;
	v10 =	vadd.f32 v12, v10;
	v9 =	vld [tilespmem:s16+$0x10600]  }
0x18f: {  	v5 =	vadd.f32 v6, v5;
	v6 =	vld [tilespmem:s16+$0xC600]  }
0x190: {  	v12 =	vmul.f32 v23, v23;
	v7 =	vadd.f32 v7, v10;
	v11 =	vmul.f32 v22, v22;
	v10 =	vld [tilespmem:s16+$0x10620]  }
0x191: {  	v15 =	vmul.f32 v28, v28;
	v3 =	vadd.f32 v5, v3;
	v5 =	vmul.f32 v16, v16;
	v16 =	vld [tilespmem:s16+$0xC620]  }
0x192: {  	v17 =	vmul.f32 v40, v40;
	v11 =	vadd.f32 v12, v11;
	v12 =	vmul.f32 v39, v39;
	v18 =	vld [tilespmem:s16+$0x10610]  }
0x193: {  	v19 =	vmul.f32 v29, v29;
	v5 =	vadd.f32 v5, v15;
	v15 =	vmul.f32 v41, v41;
	v47 =	vld [tilespmem:s16+$0xC610]  }
0x194: {  	v7 =	vadd.f32 v11, v7;
	v11 =	vadd.f32 v17, v12;
	v12 =	vld [tilespmem:s16+$0x10630]  }
0x195: {  	v4 =	vadd.f32 v4, v5;
	v5 =	vadd.f32 v19, v15;
	v15 =	vld [tilespmem:s16+$0xC630]  }
0x196: {  	v17 =	vmul.f32 v44, v44;
	v2 =	vadd.f32 v2, v11;
	v19 =	vmul.f32 v30, v30;
	v8 =	vld [tilespmem:s16+$0x14640]  }
0x197: {  	v11 =	vmul.f32 v46, v46;
	v48 =	vld [tilespmem:s16+$0x14600];
	v1 =	vadd.f32 v1, v5;
	v49 =	vmul.f32 v9, v6  }
0x198: {  	v5 =	vld [tilespmem:s16+$0x14620];
	v17 =	vadd.f32 v19, v17;
	v50 =	vmul.f32 v10, v6;
	v19 =	vmul.f32 v10, v16  }
0x199: {  	v52 =	vld [tilespmem:s16+$0x14610];
	v2 =	vadd.f32 v2, v4;
	v51 =	vmul.f32 v9, v16;
	v4 =	vmul.f32 v18, v47  }
0x19a: {  	v53 =	vld [tilespmem:s16+$0x14630];
	v11 =	vadd.f32 v11, v17;
	v54 =	vmul.f32 v12, v47;
	v17 =	vmul.f32 v12, v15  }
0x19b: {  	v56 =	vld [tilespmem:s16+$0xC640];
	v1 =	vadd.f32 v1, v2;
	v55 =	vmul.f32 v18, v15;
	v59 =	vmul.f32 v13, v13  }
0x19c: {  	v58 =	vld [tilespmem:s16+$0x10640];
	v9 =	vmul.f32 v9, v9;
	v19 =	vadd.f32 v19, v49;
	v57 =	vsub.f32 v50, v51  }
0x19d: {  	v60 =	vld [tilespmem:s16+$0xC650];
	v10 =	vmul.f32 v10, v10;
	v4 =	vadd.f32 v17, v4;
	v17 =	vsub.f32 v54, v55  }
0x19e: {  	v3 =	vadd.f32 v7, v3;
	v61 =	vld [tilespmem:s16+$0x10650];
	v2 =	vmul.f32 v19, v48;
	v19 =	vmul.f32 v5, v57  }
0x19f: {  	v1 =	vadd.f32 v11, v1;
	v11 =	vld [tilespmem:s16+$0x10660];
	v4 =	vmul.f32 v4, v52;
	v7 =	vmul.f32 v53, v17  }
0x1a0: {  	v6 =	vmul.f32 v6, v6;
	v16 =	vmul.f32 v16, v16;
	v9 =	vadd.f32 v10, v9;
	v17 =	vld [tilespmem:s16+$0xC660]  }
0x1a1: {  	v10 =	vld [tilespmem:s16+$0x10670];
	v2 =	vadd.f32 v19, v2;
	v4 =	vadd.f32 v7, v4;
	v7 =	vmul.f32 v58, v56  }
0x1a2: {  	v62 =	vmul.f32 v14, v14;
	v12 =	vmul.f32 v12, v12;
	v19 =	vld [tilespmem:s16+$0xC670]  }
0x1a3: {  	v2 =	vadd.f32 v4, v2;
	v4 =	vmul.f32 v8, v7;
	v7 =	vmul.f32 v61, v60  }
0x1a4: {  	v63 =	vld [tilespmem:s16+$0x14670];
	v6 =	vadd.f32 v16, v6;
	v16 =	vmul.f32 v48, v48;
	v5 =	vmul.f32 v5, v5  }
0x1a5: {  	v2 =	vadd.f32 v4, v2;
	v4 =	vmul.f32 v14, v7;
	v7 =	vmul.f32 v11, v17  }
0x1a6: {  	v9 =	vadd.f32 v9, v6;
	v6 =	vmul.f32 v47, v47;
	v5 =	vadd.f32 v5, v16  }
0x1a7: {  	v2 =	vadd.f32 v4, v2;
	v4 =	vmul.f32 v13, v7;
	v7 =	vmul.f32 v10, v19  }
0x1a8: {  	v16 =	vmul.f32 v61, v61;
	v13 =	vmul.f32 v15, v15  }
0x1a9: {  	v5 =	vadd.f32 v5, v9;
	v2 =	vadd.f32 v4, v2;
	v4 =	vmul.f32 v63, v7  }
0x1aa: {  	v14 =	vmul.f32 v18, v18;
	v15 =	vmul.f32 v60, v60;
	v13 =	vadd.f32 v13, v6  }
0x1ab: {  	v6 =	vmul.f32 v56, v56;
	v7 =	vmul.f32 v58, v58;
	v2 =	vadd.f32 v4, v2  }
0x1ac: {  	s30 =	simm.s32 $0x18E00;
	v11 =	vmul.f32 v11, v11;
	v12 =	vadd.f32 v12, v14;
	v4 =	vmul.f32 v17, v17  }
0x1ad: {  	s31 =	simm.s32 $0x80;
	v8 =	vmul.f32 v8, v8;
	v6 =	vadd.f32 v7, v6;
	v7 =	vadd.f32 v16, v15;
	[tilespmem:s30+$0x0] =	vst v2  }
0x1ae: {  	v14 =	vmul.f32 v19, v19;
	v10 =	vmul.f32 v10, v10;
	v11 =	vadd.f32 v11, v4;
	v4 =	vld [tilespmem:s31+$0x14660]  }
0x1af: {  	v8 =	vadd.f32 v8, v6;
	v15 =	vadd.f32 v62, v7;
	v6 =	vld [tilespmem:s31+$0x14650]  }
0x1b0: {  	v10 =	vadd.f32 v10, v14;
	v16 =	vmul.f32 v53, v53;
	v2 =	vmul.f32 v52, v52;
	v7 =	vld [tilespmem:s31+$0x14640]  }
0x1b1: {  	v17 =	vmul.f32 v63, v63;
	v14 =	vld [tilespmem:s31+$0xC600];
	v9 =	vadd.f32 v59, v11;
	v8 =	vadd.f32 v15, v8  }
0x1b2: {  	v13 =	vadd.f32 v12, v13;
	v11 =	vld [tilespmem:s31+$0x10600];
	v2 =	vadd.f32 v16, v2  }
0x1b3: {  	v10 =	vadd.f32 v17, v10;
	v12 =	vld [tilespmem:s31+$0x10620];
	v8 =	vadd.f32 v9, v8  }
0x1b4: {  	v3 =	vadd.f32 v5, v3;
	v5 =	vadd.f32 v2, v13;
	v13 =	vld [tilespmem:s31+$0xC620]  }
0x1b5: {  	v0 =	vadd.f32 v1, v0;
	v2 =	vmul.f32 v4, v4;
	v9 =	vadd.f32 v10, v8;
	v8 =	vld [tilespmem:s31+$0x10610]  }
0x1b6: {  	v1 =	vadd.f32 v5, v3;
	v3 =	vmul.f32 v6, v6;
	v5 =	vmul.f32 v7, v7;
	v10 =	vld [tilespmem:s31+$0xC610]  }
0x1b7: {  	s16 =	simm.s32 $0x400;
	v15 =	vmul.f32 v14, v14;
	v16 =	vmul.f32 v11, v11;
	v0 =	vadd.f32 v9, v0;
	v9 =	vld [tilespmem:s31+$0x10630]  }
.LBB2_8:
0x1b8: {  	p0 =	sne.s32 s16, $0xFE00;
	v17 =	vmul.f32 v12, v12;
	v18 =	vld [tilespmem:s31+$0xC630]  }
0x1b9: {  	v19 =	vld [tilespmem:s31+$0x14600];
	v20 =	vmul.f32 v13, v13  }
0x1ba: {  	v22 =	vmul.f32 v11, v14;
	v14 =	vmul.f32 v12, v14;
	v21 =	vld [tilespmem:s31+$0x14620];
	v16 =	vadd.f32 v17, v16  }
0x1bb: {  	v12 =	vmul.f32 v12, v13;
	v11 =	vmul.f32 v11, v13;
	v13 =	vadd.f32 v20, v15;
	v15 =	vld [tilespmem:s31+$0x14610]  }
0x1bc: {  	v20 =	vmul.f32 v8, v10;
	v17 =	vld [tilespmem:s31+$0x14630];
	v23 =	vmul.f32 v9, v10  }
0x1bd: {  	v13 =	vadd.f32 v16, v13;
	v16 =	vmul.f32 v9, v18;
	v24 =	vmul.f32 v8, v18;
	v25 =	vld [tilespmem:s31+$0xC640]  }
0x1be: {  	v12 =	vadd.f32 v12, v22;
	v11 =	vsub.f32 v14, v11;
	v14 =	vmul.f32 v19, v19;
	v22 =	vld [tilespmem:s31+$0x10640]  }
0x1bf: {  	v26 =	vmul.f32 v21, v21;
	v16 =	vadd.f32 v16, v20;
	v20 =	vsub.f32 v23, v24;
	v23 =	vld [tilespmem:s31+$0xC650]  }
0x1c0: {  	v12 =	vmul.f32 v12, v19;
	v11 =	vmul.f32 v21, v11;
	v19 =	vld [tilespmem:s31+$0x10650]  }
0x1c1: {  	v14 =	vadd.f32 v26, v14;
	v16 =	vmul.f32 v16, v15;
	v20 =	vmul.f32 v17, v20;
	v21 =	vld [tilespmem:s31+$0xC660]  }
0x1c2: {  	v10 =	vmul.f32 v10, v10;
	v18 =	vmul.f32 v18, v18;
	v24 =	vld [tilespmem:s31+$0x10660]  }
0x1c3: {  	v11 =	vadd.f32 v11, v12;
	v12 =	vadd.f32 v20, v16;
	v16 =	vmul.f32 v22, v25;
	v20 =	vld [tilespmem:s31+$0xC670]  }
0x1c4: {  	v8 =	vmul.f32 v8, v8;
	v9 =	vmul.f32 v9, v9;
	v10 =	vadd.f32 v18, v10;
	v18 =	vld [tilespmem:s31+$0x10670]  }
0x1c5: {  	v11 =	vadd.f32 v12, v11;
	v7 =	vmul.f32 v7, v16;
	v12 =	vmul.f32 v19, v23  }
0x1c6: {  	v8 =	vadd.f32 v9, v8;
	v9 =	vmul.f32 v15, v15;
	v15 =	vmul.f32 v17, v17;
	v16 =	vld [tilespmem:s31+$0x14670]  }
0x1c7: {  	v7 =	vadd.f32 v7, v11;
	v6 =	vmul.f32 v6, v12;
	v11 =	vmul.f32 v24, v21  }
0x1c8: {  	v8 =	vadd.f32 v8, v10;
	v10 =	vmul.f32 v25, v25;
	v12 =	vadd.f32 v14, v13  }
0x1c9: {  	v6 =	vadd.f32 v6, v7;
	v4 =	vmul.f32 v4, v11;
	v7 =	vmul.f32 v18, v20  }
0x1ca: {  	v9 =	vadd.f32 v15, v9;
	v1 =	vadd.f32 v12, v1;
	v11 =	vmul.f32 v22, v22  }
0x1cb: {  	v12 =	vmul.f32 v23, v23;
	v4 =	vadd.f32 v4, v6;
	v6 =	vmul.f32 v16, v7  }
0x1cc: {  	v7 =	vadd.f32 v9, v8;
	v8 =	vadd.f32 v11, v10;
	v9 =	vmul.f32 v19, v19  }
0x1cd: {  	v10 =	vmul.f32 v21, v21;
	v11 =	vmul.f32 v24, v24;
	v4 =	vadd.f32 v6, v4  }
0x1ce: {  	s30 =	sadd.s32 $0x10, s30;
	v1 =	vadd.f32 v7, v1;
	v6 =	vadd.f32 v9, v12;
	v7 =	vmul.f32 v20, v20  }
0x1cf: {  	s31 =	sshra.s32 s16, $0x2;
	v5 =	vadd.f32 v5, v8;
	v8 =	vadd.f32 v11, v10;
	v9 =	vmul.f32 v18, v18;
	[tilespmem:s30+$0x0] =	vst v4  }
0x1d0: {  	v10 =	vmul.f32 v16, v16;
	v3 =	vadd.f32 v3, v6;
	v4 =	vld [tilespmem:s31+$0x14660]  }
0x1d1: {  	v2 =	vadd.f32 v2, v8;
	v8 =	vadd.f32 v9, v7;
	v6 =	vld [tilespmem:s31+$0x14650]  }
0x1d2: {  	v3 =	vadd.f32 v3, v5;
	v7 =	vld [tilespmem:s31+$0x14640]  }
0x1d3: {  	v5 =	vadd.f32 v10, v8;
	v11 =	vld [tilespmem:s31+$0x10600]  }
0x1d4: {  	v8 =	vadd.f32 v2, v3;
	v14 =	vld [tilespmem:s31+$0xC600]  }
.Ltmp3:
0x1d5: {  	v12 =	vld [tilespmem:s31+$0x10620];
	v2 =	vmul.f32 v4, v4;
	(pc) =	sbr.rel @p0 .LBB2_8-.Ltmp3, $4  }
0x1d6: {  	v9 =	vadd.f32 v5, v8;
	v13 =	vld [tilespmem:s31+$0xC620];
	v3 =	vmul.f32 v6, v6  }
0x1d7: {  	v8 =	vld [tilespmem:s31+$0x10610];
	v5 =	vmul.f32 v7, v7  }
0x1d8: {  	v0 =	vadd.f32 v9, v0;
	v16 =	vmul.f32 v11, v11;
	v10 =	vld [tilespmem:s31+$0xC610]  }
0x1d9: {  	s16 =	sadd.s32 $0x200, s16;
	v15 =	vmul.f32 v14, v14;
	v9 =	vld [tilespmem:s31+$0x10630]  }
0x1da: {  	v17 =	vld [tilespmem:s31+$0xC630]  }
0x1db: {  	v18 =	vld [tilespmem:s31+$0x14600]  }
0x1dc: {  	v19 =	vld [tilespmem:s31+$0x14620]  }
0x1dd: {  	v21 =	vld [tilespmem:s31+$0x14610]  }
0x1de: {  	v20 =	vmul.f32 v11, v14;
	v56 =	vmul.f32 v12, v14;
	v23 =	vld [tilespmem:s31+$0x14630]  }
0x1df: {  	v26 =	vld [tilespmem:s31+$0xC640];
	v59 =	vmul.f32 v12, v12;
	v22 =	vmul.f32 v12, v13  }
0x1e0: {  	v58 =	vld [tilespmem:s31+$0x10640];
	v57 =	vmul.f32 v11, v13;
	v60 =	vmul.f32 v13, v13  }
0x1e1: {  	v61 =	vld [tilespmem:s31+$0xC650];
	v42 =	vmul.f32 v8, v8;
	v24 =	vmul.f32 v8, v10  }
0x1e2: {  	v63 =	vld [tilespmem:s31+$0x10650];
	v37 =	vmul.f32 v10, v10;
	v25 =	vmul.f32 v9, v10  }
0x1e3: {  	v32 =	vld [tilespmem:s31+$0xC660];
	v20 =	vadd.f32 v22, v20;
	v27 =	vmul.f32 v9, v17;
	v28 =	vmul.f32 v8, v17  }
0x1e4: {  	v35 =	vld [tilespmem:s31+$0x10660];
	v11 =	vsub.f32 v56, v57;
	v45 =	vmul.f32 v9, v9;
	v62 =	vmul.f32 v18, v18  }
0x1e5: {  	v38 =	vld [tilespmem:s31+$0xC670];
	v18 =	vmul.f32 v20, v18;
	v24 =	vadd.f32 v27, v24;
	v25 =	vsub.f32 v25, v28  }
0x1e6: {  	v40 =	vld [tilespmem:s31+$0x10670];
	v11 =	vmul.f32 v19, v11;
	v36 =	vmul.f32 v19, v19  }
0x1e7: {  	v33 =	vmul.f32 v24, v21;
	v34 =	vmul.f32 v23, v25  }
0x1e8: {  	v12 =	vadd.f32 v59, v16;
	v39 =	vmul.f32 v58, v26;
	v41 =	vmul.f32 v17, v17  }
0x1e9: {  	v43 =	vmul.f32 v63, v61;
	v11 =	vadd.f32 v11, v18;
	v16 =	vadd.f32 v34, v33  }
0x1ea: {  	v46 =	vmul.f32 v35, v32;
	v47 =	vmul.f32 v26, v26  }
0x1eb: {  	v48 =	vmul.f32 v40, v38;
	v7 =	vmul.f32 v7, v39;
	v11 =	vadd.f32 v16, v11  }
0x1ec: {  	v44 =	vld [tilespmem:s31+$0x14670];
	v13 =	vadd.f32 v60, v15;
	v49 =	vmul.f32 v58, v58;
	v14 =	vmul.f32 v61, v61  }
0x1ed: {  	v51 =	vmul.f32 v63, v63;
	v6 =	vmul.f32 v6, v43;
	v7 =	vadd.f32 v7, v11  }
0x1ee: {  	v12 =	vadd.f32 v12, v13;
	v52 =	vmul.f32 v32, v32;
	v53 =	vmul.f32 v35, v35  }
0x1ef: {  	v54 =	vmul.f32 v21, v21;
	v4 =	vmul.f32 v4, v46;
	v6 =	vadd.f32 v6, v7  }
0x1f0: {  	v56 =	vmul.f32 v38, v38;
	v8 =	vadd.f32 v45, v42;
	v15 =	vadd.f32 v36, v62  }
0x1f1: {  	v50 =	vmul.f32 v44, v48;
	v55 =	vadd.f32 v51, v14;
	v4 =	vadd.f32 v4, v6  }
0x1f2: {  	v57 =	vmul.f32 v40, v40;
	v10 =	vadd.f32 v41, v37;
	v7 =	vadd.f32 v49, v47  }
0x1f3: {  	v58 =	vmul.f32 v23, v23;
	v3 =	vadd.f32 v3, v55;
	v4 =	vadd.f32 v50, v4  }
0x1f4: {  	s16 =	sadd.s32 $0x10, s30;
	v6 =	vadd.f32 v53, v52;
	v5 =	vadd.f32 v5, v7  }
0x1f5: {  	v60 =	vadd.f32 v57, v56;
	v62 =	vadd.f32 v58, v54;
	[tilespmem:s16+$0x0] =	vst v4  }
0x1f6: {  	v59 =	vmul.f32 v44, v44;
	v2 =	vadd.f32 v2, v6;
	v3 =	vadd.f32 v3, v5;
	_ =	swait.ge [sflag:s23], $0x800  }
0x1f7: {  	v12 =	vadd.f32 v15, v12;
	v61 =	vadd.f32 v8, v10;
	[sflag:s23] =	ssyncset.done $0x0  }
0x1f8: {  	v4 =	vadd.f32 v59, v60;
	v2 =	vadd.f32 v2, v3;
	[sflag:s23] =	ssyncadd.s32 $0xFFFFF800  }
0x1f9: {  	v1 =	vadd.f32 v12, v1;
	v63 =	vadd.f32 v62, v61;
	[hbm4b:s11+s2] =	stream.linear.scatter [tilespmem:s25], [sflag:$0x3], $0x800, $0x38;
	[tilespmem:$0x19620] =	vst v63  }
0x1fa: {  	v2 =	vadd.f32 v4, v2;
	_ =	swait.ge [sflag:s23], $0x800  }
0x1fb: {  	v1 =	vadd.f32 v63, v1;
	[sflag:s23] =	ssyncset.done $0x0  }
0x1fc: {  	v0 =	vadd.f32 v2, v0;
	[sflag:s23] =	ssyncadd.s32 $0xFFFFF800  }
0x1fd: {  	[tilespmem:$0x19600] =	vst v1  }
0x1fe: {  	s30 =	simm.s32 $0x19600;
	[tilespmem:$0x19610] =	vst v0  }
0x1ff: {  	[hbm4b:s12+s2] =	stream.linear.scatter [tilespmem:s30], [sflag:$0x4], $0x10, $0x38;
	[tilespmem:$0x19620] =	vst v63  }
0x200: {  	s0 =	sadd.s32 $0x1, s0;
	_ =	swait.ge [sflag:s15], $0x10  }
0x201: {  	p0 =	sne.s32 s0, s14;
	[sflag:s15] =	ssyncset.done $0x0  }
.Ltmp4:
0x202: {  	s31 =	simm.s32 $0x19610;
	[sflag:s15] =	ssyncadd.s32 $0xFFFFFFF0;
	(pc) =	sbr.rel @p0 .LBB2_1-.Ltmp4, $4  }
0x203: {  	[hbm4b:s13+s2] =	stream.linear.scatter [tilespmem:s31], [sflag:$0x4], $0x10, $0x38;
	[tilespmem:$0x19620] =	vst v63  }
0x204: {  	_ =	swait.ge [sflag:s15], $0x10  }
0x205: {  	[sflag:s15] =	ssyncset.done $0x0  }
0x206: {  	[sflag:s15] =	ssyncadd.s32 $0xFFFFFFF0  }
0x207: {  	_ =	sfence.sel $0x180000  }
0x208: {  	[bflag:$0x0] =	sbarrier.arrive $0xFFFF  }
0x209: {  	_ =	strace $0x90000047  }
0x20a: {  	s0 =	stileid.u32;
	[bflag:$0x2] =	sbarrier.arrive $0xFFFF  }
0x20b: {  	p0 =	sne.s32 s0, $0x0;
	s0 =	rddreg [dreg:$0x4]  }
0x20c: {  	s0 =	sadd.s32 @!p0 $0x100000, s0  }
0x20d: {  	[sflag:s0] =	ssyncadd.tile.s32 @!p0 $0x1;
	_ =	shalt  }
.Lfunc_end2:
_tile_overlayer_lowered:
.L_overlay_start_2:
0x20e: {  	(tag) =	ssettag $0x2  }
0x20f: {  	s0 =	rddreg [dreg:$0x0];
	s2 =	stileid.u32  }
0x210: {  	s1 =	rddreg [dreg:$0x1];
	p0 =	sne.s32 s2, $0x0  }
0x211: {  	s3 =	rddreg [dreg:$0x2];
	[bflag:$0x3] =	sbarrier.arrive $0xFFFF;
	s2 =	simm.s32 @!p0 $0x1C04  }
0x212: {  	[timem:s3], [sflag:s2] =	dma.local @!p0 [hbm:s0], s1  }
0x213: {  	s0 =	simm.s32 @!p0 $0x4  }
0x214: {  	_ =	swait.ge @!p0 [sflag:s0], s1  }
0x215: {  	s1 =	ssub.s32 @!p0 $0x0, s1;
	[sflag:s0] =	ssyncset.done @!p0 $0x0  }
0x216: {  	[sflag:s0] =	ssyncadd.s32 @!p0 s1  }
0x217: {  	[bflag:$0x3] =	sbarrier.arrive $0xFFFF  }
0x218: {  	_ =	shalt  }

</sc_bundles>
